<compile_context>
chip_gen: v7x
topology: tpu7x:2x2x1
jax: 0.10.2.dev20260603
libtpu: 0.0.44.dev20260713+nightly
codegen_flags: <defaults>
</compile_context>

<pallas_src>
import jax
import jax.numpy as jnp
from jax import lax
from jax.experimental import pallas as pl
from jax.experimental.pallas import tpu as pltpu
from jax.experimental.pallas import tpu_sc as plsc

N = 10000
D = 128
E = 320000
NC = 2
NS = 16
CH = 80
NCHUNK = 125
NPAD = 10240
RPT = NPAD // NS
ZROWS = 128
F32 = jnp.float32



CH_D = 128
NCHUNK_D = 80


def _deg_body(dst_hbm, out_hbm, dacc, idx_v, ones_v, zb_v):
    c = lax.axis_index("c")
    s = lax.axis_index("s")

    def fill(r, carry):
        ones_v[r, :] = jnp.full((16,), 1.0, F32)
        return carry
    lax.fori_loop(0, CH_D, fill, 0)

    def fillz(r, carry):
        zb_v[r, :] = jnp.zeros((16,), F32)
        return carry
    lax.fori_loop(0, ZROWS, fillz, 0)

    for k in range(RPT // ZROWS):
        pltpu.sync_copy(zb_v, dacc.at[pl.ds(s * RPT + k * ZROWS, ZROWS)])
    pltpu.sync_copy(dst_hbm.at[c, s], idx_v)
    plsc.subcore_barrier()

    def chunk(j, carry):
        pltpu.sync_copy(ones_v, dacc.at[idx_v.at[j]], add=True)
        return carry
    lax.fori_loop(0, NCHUNK_D, chunk, 0)

    plsc.subcore_barrier()
    pltpu.sync_copy(dacc.at[pl.ds(s * RPT, RPT)],
                    out_hbm.at[c, pl.ds(s * RPT, RPT)])


def _sc_deg(dst4):
    return pl.kernel(
        _deg_body,
        out_type=jax.ShapeDtypeStruct((NC, NPAD, 16), F32),
        mesh=plsc.VectorSubcoreMesh(core_axis_name="c", subcore_axis_name="s"),
        scratch_types=[
            pltpu.VMEM_SHARED((NPAD, 16), F32),
            pltpu.VMEM((NCHUNK_D, CH_D), jnp.int32),
            pltpu.VMEM((CH_D, 16), F32),
            pltpu.VMEM((ZROWS, 16), F32),
        ],
    )(dst4)


def _scatter_body(z_hbm, src_hbm, dst_hbm, out_hbm, acc,
                  isv, idv, rows0, rows1, sem0, sem1):
    c = lax.axis_index("c")
    s = lax.axis_index("s")

    pltpu.sync_copy(src_hbm.at[c, s], isv)
    pltpu.sync_copy(dst_hbm.at[c, s], idv)
    pltpu.async_copy(z_hbm.at[isv.at[pl.ds(0, CH)]], rows0, sem0)

    def fillz(r, carry):
        for k8 in range(D // 16):
            rows1[r, pl.ds(k8 * 16, 16)] = jnp.zeros((16,), F32)
        return carry
    lax.fori_loop(0, CH, fillz, 0)

    for k in range(RPT // CH):
        pltpu.sync_copy(rows1, acc.at[pl.ds(s * RPT + k * CH, CH)])
    plsc.subcore_barrier()
    pltpu.async_copy(z_hbm.at[isv.at[pl.ds(CH, CH)]], rows1, sem1)

    def pair(t, carry):
        j = 2 * t
        pltpu.make_async_copy(z_hbm.at[isv.at[pl.ds(j * CH, CH)]], rows0, sem0).wait()
        pltpu.sync_copy(rows0, acc.at[idv.at[j]], add=True)
        pltpu.async_copy(z_hbm.at[isv.at[pl.ds((j + 2) * CH, CH)]], rows0, sem0)
        pltpu.make_async_copy(z_hbm.at[isv.at[pl.ds((j + 1) * CH, CH)]], rows1, sem1).wait()
        pltpu.sync_copy(rows1, acc.at[idv.at[j + 1]], add=True)

        @pl.when(t < (NCHUNK - 1) // 2 - 1)
        def _():
            pltpu.async_copy(z_hbm.at[isv.at[pl.ds((j + 3) * CH, CH)]], rows1,
                             sem1)
        return carry
    lax.fori_loop(0, (NCHUNK - 1) // 2, pair, 0)

    last = NCHUNK - 1
    pltpu.make_async_copy(z_hbm.at[isv.at[pl.ds(last * CH, CH)]], rows0, sem0).wait()
    pltpu.sync_copy(rows0, acc.at[idv.at[last]], add=True)

    plsc.subcore_barrier()
    pltpu.sync_copy(acc.at[pl.ds(s * RPT, RPT)],
                    out_hbm.at[c, pl.ds(s * RPT, RPT)])


def _sc_scatter(z, src3, dst4):
    return pl.kernel(
        _scatter_body,
        out_type=jax.ShapeDtypeStruct((NC, NPAD, D), F32),
        mesh=plsc.VectorSubcoreMesh(core_axis_name="c", subcore_axis_name="s"),
        scratch_types=[
            pltpu.VMEM_SHARED((NPAD, D), F32),
            pltpu.VMEM((NCHUNK * CH,), jnp.int32),
            pltpu.VMEM((NCHUNK, CH), jnp.int32),
            pltpu.VMEM((CH, D), F32),
            pltpu.VMEM((CH, D), F32),
            pltpu.SemaphoreType.DMA,
            pltpu.SemaphoreType.DMA,
        ],
    )(z, src3, dst4)



_BLK = 2000
_GRID = N // _BLK
_FBLK = 1000
_FGRID = N // _FBLK
_PREC = lax.Precision.DEFAULT


def _xw_body(x_ref, w_ref, xw_ref):
    xw_ref[...] = jnp.dot(x_ref[...], w_ref[...],
                          preferred_element_type=F32, precision=_PREC)


def _tc_xw(x, W1):
    return pl.pallas_call(
        _xw_body,
        grid=(_GRID,),
        in_specs=[
            pl.BlockSpec((_BLK, D), lambda i: (i, 0)),
            pl.BlockSpec((D, D), lambda i: (0, 0)),
        ],
        out_specs=pl.BlockSpec((_BLK, D), lambda i: (i, 0)),
        out_shape=jax.ShapeDtypeStruct((N, D), F32),
    )(x, W1)


def _prep_body(degp_ref, xw_ref, dinv_ref, z_ref):
    deg = degp_ref[0] + degp_ref[1]
    dinv = lax.rsqrt(deg[:, 0:1] + 1.0)
    dinv_ref[...] = jnp.broadcast_to(dinv, (dinv.shape[0], 8))
    z_ref[...] = xw_ref[...] * dinv


def _tc_prep(degp, xw):
    return pl.pallas_call(
        _prep_body,
        grid=(_GRID,),
        in_specs=[
            pl.BlockSpec((NC, _BLK, 16), lambda i: (0, i, 0)),
            pl.BlockSpec((_BLK, D), lambda i: (i, 0)),
        ],
        out_specs=[
            pl.BlockSpec((_BLK, 8), lambda i: (i, 0)),
            pl.BlockSpec((_BLK, D), lambda i: (i, 0)),
        ],
        out_shape=[
            jax.ShapeDtypeStruct((N, 8), F32),
            jax.ShapeDtypeStruct((N, D), F32),
        ],
    )(degp, xw)


def _mid_body(aggp_ref, z_ref, dinv_ref, b_ref, w_ref, out_ref):
    dinv = dinv_ref[:, 0:1]
    h = (aggp_ref[0] + aggp_ref[1] + z_ref[...]) * dinv + b_ref[...]
    h = jnp.maximum(h, 0.0)
    out_ref[...] = jnp.dot(h, w_ref[...],
                           preferred_element_type=F32, precision=_PREC) * dinv


def _tc_mid(aggp, z, dinv, b1r, W2):
    return pl.pallas_call(
        _mid_body,
        grid=(_GRID,),
        in_specs=[
            pl.BlockSpec((NC, _BLK, D), lambda i: (0, i, 0)),
            pl.BlockSpec((_BLK, D), lambda i: (i, 0)),
            pl.BlockSpec((_BLK, 8), lambda i: (i, 0)),
            pl.BlockSpec((1, D), lambda i: (0, 0)),
            pl.BlockSpec((D, D), lambda i: (0, 0)),
        ],
        out_specs=pl.BlockSpec((_BLK, D), lambda i: (i, 0)),
        out_shape=jax.ShapeDtypeStruct((N, D), F32),
    )(aggp, z, dinv, b1r, W2)


def _fin_body(a0p_ref, a1p_ref, zp_ref, dp_ref,
              ac_ref, zc_ref, dc_ref,
              a0n_ref, a1n_ref, zn_ref, dn8_ref,
              b_ref, wt_ref, btr_ref, wfc_ref, bfc_ref, out_ref):
    i = pl.program_id(0)
    b = b_ref[...]
    hc = jnp.maximum(
        (ac_ref[0] + ac_ref[1] + zc_ref[...]) * dc_ref[:, 0:1] + b, 0.0)
    hp = jnp.maximum(
        (a0p_ref[7:8] + a1p_ref[7:8] + zp_ref[7:8]) * dp_ref[7:8, 0:1] + b,
        0.0)
    hn = jnp.maximum(
        (a0n_ref[0:1] + a1n_ref[0:1] + zn_ref[0:1]) * dn8_ref[0:1, 0:1] + b,
        0.0)
    wfc = wfc_ref[...]
    dn = (((0,), (0,)), ((), ()))
    u0 = lax.dot_general(wt_ref[0], wfc, dn, precision=_PREC,
                         preferred_element_type=F32)
    u1 = lax.dot_general(wt_ref[1], wfc, dn, precision=_PREC,
                         preferred_element_type=F32)
    u2 = lax.dot_general(wt_ref[2], wfc, dn, precision=_PREC,
                         preferred_element_type=F32)
    cst = jnp.dot(btr_ref[...], wfc, preferred_element_type=F32,
                  precision=_PREC) + bfc_ref[...]
    zrow = jnp.zeros((1, D), F32)
    first = jnp.where(i > 0, hp, zrow)
    lastr = jnp.where(i < _FGRID - 1, hn, zrow)
    prev = jnp.concatenate([first, hc[:-1]], axis=0)
    nxt = jnp.concatenate([hc[1:], lastr], axis=0)
    out = jnp.dot(prev, u0, preferred_element_type=F32, precision=_PREC)
    out += jnp.dot(hc, u1, preferred_element_type=F32, precision=_PREC)
    out += jnp.dot(nxt, u2, preferred_element_type=F32, precision=_PREC)
    out_ref[...] = out + cst


def _tc_final(aggp, z, dinv8, b2r, wt_t, btr, Wfc, bfcr):
    aggf = aggp.reshape(NC * NPAD, D)
    h8 = _FBLK // 8
    pmap = lambda i: (jnp.maximum(i * h8 - 1, 0), 0)
    nmap = lambda i: (jnp.minimum((i + 1) * h8, N // 8 - 1), 0)
    pmap1 = lambda i: (NPAD // 8 + jnp.maximum(i * h8 - 1, 0), 0)
    nmap1 = lambda i: (NPAD // 8 + jnp.minimum((i + 1) * h8, N // 8 - 1), 0)
    return pl.pallas_call(
        _fin_body,
        grid=(_FGRID,),
        in_specs=[
            pl.BlockSpec((8, D), pmap),
            pl.BlockSpec((8, D), pmap1),
            pl.BlockSpec((8, D), pmap),
            pl.BlockSpec((8, 8), pmap),
            pl.BlockSpec((NC, _FBLK, D), lambda i: (0, i, 0)),
            pl.BlockSpec((_FBLK, D), lambda i: (i, 0)),
            pl.BlockSpec((_FBLK, 8), lambda i: (i, 0)),
            pl.BlockSpec((8, D), nmap),
            pl.BlockSpec((8, D), nmap1),
            pl.BlockSpec((8, D), nmap),
            pl.BlockSpec((8, 8), nmap),
            pl.BlockSpec((1, D), lambda i: (0, 0)),
            pl.BlockSpec((3, D, D), lambda i: (0, 0, 0)),
            pl.BlockSpec((1, D), lambda i: (0, 0)),
            pl.BlockSpec((D, D), lambda i: (0, 0)),
            pl.BlockSpec((1, D), lambda i: (0, 0)),
        ],
        out_specs=pl.BlockSpec((_FBLK, D), lambda i: (i, 0)),
        out_shape=jax.ShapeDtypeStruct((N, D), F32),
    )(aggf, aggf, z, dinv8,
      aggp, z, dinv8,
      aggf, aggf, z, dinv8,
      b2r, wt_t, btr, Wfc, bfcr)



def kernel(x, edge_index, W1, b1, W2, b2, Wt, bt, Wfc, bfc):
    src3 = edge_index[0].reshape(NC, NS, NCHUNK * CH)
    dst4 = edge_index[1].reshape(NC, NS, NCHUNK, CH)
    dst_pad = jnp.concatenate(
        [edge_index[1].reshape(NC * NS, E // (NC * NS)),
         jnp.full((NC * NS, NCHUNK_D * CH_D - E // (NC * NS)), NPAD - 1,
                  jnp.int32)], axis=1).reshape(NC, NS, NCHUNK_D, CH_D)
    degp = _sc_deg(dst_pad)
    xw1 = _tc_xw(x, W1)
    dinv, z1 = _tc_prep(degp, xw1)
    agg1 = _sc_scatter(z1, src3, dst4)
    z2 = _tc_mid(agg1, z1, dinv, b1.reshape(1, D), W2)
    agg2 = _sc_scatter(z2, src3, dst4)
    return _tc_final(agg2, z2, dinv, b2.reshape(1, D),
                     jnp.transpose(Wt, (2, 0, 1)), bt.reshape(1, D),
                     Wfc, bfc.reshape(1, D))

# --- scband reference (transcript-rebuilt; emitter-appended) ---
"""Pipeline reference for scband-temporal-gcn-39728447488045 (READ-ONLY COPY).

The authoritative reference and input builder live on the scoring server;
editing this copy changes nothing except your own understanding.
"""

import jax, jax.numpy as jnp
import numpy as np

N = 10000
E = 320000
D = 128


def setup_inputs(seed: int = 0) -> dict:
    key = jax.random.key(seed)
    ks = jax.random.split(key, 12)
    x = jax.random.normal(ks[0], (N, D), dtype=jnp.float32)
    edge_index = jax.random.randint(ks[1], (2, E), 0, N, dtype=jnp.int32)
    s = 1.0 / np.sqrt(D)
    W1 = jax.random.uniform(ks[2], (D, D), jnp.float32, -s, s)
    b1 = jax.random.uniform(ks[3], (D,), jnp.float32, -s, s)
    W2 = jax.random.uniform(ks[4], (D, D), jnp.float32, -s, s)
    b2 = jax.random.uniform(ks[5], (D,), jnp.float32, -s, s)
    sk = 1.0 / np.sqrt(D * 3)
    Wt = jax.random.uniform(ks[6], (D, D, 3), jnp.float32, -sk, sk)  # [out_ch, in_ch, k]
    bt = jax.random.uniform(ks[7], (D,), jnp.float32, -sk, sk)
    Wfc = jax.random.uniform(ks[8], (D, D), jnp.float32, -s, s)
    bfc = jax.random.uniform(ks[9], (D,), jnp.float32, -s, s)
    return {"x": x, "edge_index": edge_index, "W1": W1, "b1": b1, "W2": W2,
            "b2": b2, "Wt": Wt, "bt": bt, "Wfc": Wfc, "bfc": bfc}


def gcn_layer(x, edge_index, W, b):
    # PyG GCNConv: add self-loops, symmetric normalization D^-1/2 (A+I) D^-1/2 X W + b
    n = x.shape[0]
    loop = jnp.arange(n, dtype=edge_index.dtype)
    src = jnp.concatenate([edge_index[0], loop])
    dst = jnp.concatenate([edge_index[1], loop])
    deg = jnp.zeros((n,), x.dtype).at[dst].add(1.0)
    dinv = jnp.where(deg > 0, 1.0 / jnp.sqrt(deg), 0.0)
    norm = dinv[src] * dinv[dst]
    xw = x @ W
    msg = xw[src] * norm[:, None]
    out = jnp.zeros((n, W.shape[1]), x.dtype).at[dst].add(msg)
    return out + b


def temporal_conv(x, Wt, bt):
    # x: [B, T, C]; 1D conv over T with SAME padding (kernel_size=3)
    xc = jnp.transpose(x, (0, 2, 1))  # [B, C, T]
    y = jax.lax.conv_general_dilated(
        xc, Wt, window_strides=(1,), padding='SAME',
        dimension_numbers=('NCH', 'OIH', 'NCH'))
    y = y + bt[None, :, None]
    return jnp.transpose(y, (0, 2, 1))


def reference(x, edge_index, W1, b1, W2, b2, Wt, bt, Wfc, bfc):
    # eval mode: dropout is identity
    h = jax.nn.relu(gcn_layer(x, edge_index, W1, b1))
    h = jax.nn.relu(gcn_layer(h, edge_index, W2, b2))
    h = h[None, :, :]             # batch=None path: unsqueeze(0)
    h = temporal_conv(h, Wt, bt)  # [1, N, D]
    h = h[0]                      # squeeze(0)
    return h @ Wfc + bfc

if __name__ == "__main__":
    import jax
    _d = setup_inputs()
    print(jax.jit(kernel)(*tuple(_d.values())))

</pallas_src>

<mosaic_0001>
#map = affine_map<(d0, d1) -> (0, 0, 0, 0)>
#map1 = affine_map<(d0, d1) -> (0, 0, 0)>
module attributes {stable_mosaic.version = 14 : i64} {
  func.func @_deg_body(%arg0: i32, %arg1: i32, %arg2: memref<2x16x80x128xi32, #tpu.memory_space<hbm>>, %arg3: memref<2x10240x16xf32, #tpu.memory_space<hbm>>, %arg4: memref<10240x16xf32, #tpu.memory_space<vmem_shared>>, %arg5: memref<80x128xi32, #tpu.memory_space<vmem>>, %arg6: memref<128x16xf32, #tpu.memory_space<vmem>>, %arg7: memref<128x16xf32, #tpu.memory_space<vmem>>) attributes {dimension_semantics = [#tpu.dimension_semantics<core_parallel>, #tpu.dimension_semantics<subcore_parallel>], iteration_bounds = array<i64: 2, 16>, scalar_prefetch = 0 : i64, scratch_operands = 4 : i64, tpu.core_type = #tpu.core_type<sc_vector_subcore>, window_params = [{transform_indices = #map}, {transform_indices = #map1}]} {
    %scan3A = arith.constant 0 : i32
    %scan3A_0 = arith.constant 0 : i32
    %scan3A_1 = arith.constant 128 : i32
    %scan3A_2 = arith.addi %scan3A_0, %scan3A_1 : i32
    %scan3A_3 = arith.constant 1 : i32
    scf.for %scan3A_40 = %scan3A_0 to %scan3A_2 step %scan3A_3  : i32 {
      %broadcast_in_dim3A = arith.constant 1.000000e+00 : f32
      %broadcast_in_dim3A_41 = vector.broadcast %broadcast_in_dim3A : f32 to vector<16xf32>
      %swap3A = arith.index_cast %scan3A_40 : i32 to index
      %swap3A_42 = arith.constant 0 : index
      %swap3A_43 = tpu.vector_load %arg6[%swap3A, %swap3A_42] {strides = array<i32>} : memref<128x16xf32, #tpu.memory_space<vmem>>, vector<1x16xf32>,
      %swap3A_44 = vector.shape_cast %swap3A_43 : vector<1x16xf32> to vector<16xf32>
      %swap3A_45 = vector.shape_cast %broadcast_in_dim3A_41 : vector<16xf32> to vector<1x16xf32>
      tpu.vector_store %arg6[%swap3A, %swap3A_42], %swap3A_45 {strides = array<i32>} : memref<128x16xf32, #tpu.memory_space<vmem>>, vector<1x16xf32>,
    }
    %scan3A_4 = arith.constant 128 : i32
    %scan3A_5 = arith.constant 0 : i32
    %scan3A_6 = arith.constant 0 : i32
    %scan3A_7 = arith.constant 128 : i32
    %scan3A_8 = arith.addi %scan3A_6, %scan3A_7 : i32
    %scan3A_9 = arith.constant 1 : i32
    scf.for %scan3A_40 = %scan3A_6 to %scan3A_8 step %scan3A_9  : i32 {
      %broadcast_in_dim3A = arith.constant 0.000000e+00 : f32
      %broadcast_in_dim3A_41 = vector.broadcast %broadcast_in_dim3A : f32 to vector<16xf32>
      %swap3A = arith.index_cast %scan3A_40 : i32 to index
      %swap3A_42 = arith.constant 0 : index
      %swap3A_43 = tpu.vector_load %arg7[%swap3A, %swap3A_42] {strides = array<i32>} : memref<128x16xf32, #tpu.memory_space<vmem>>, vector<1x16xf32>,
      %swap3A_44 = vector.shape_cast %swap3A_43 : vector<1x16xf32> to vector<16xf32>
      %swap3A_45 = vector.shape_cast %broadcast_in_dim3A_41 : vector<16xf32> to vector<1x16xf32>
      tpu.vector_store %arg7[%swap3A, %swap3A_42], %swap3A_45 {strides = array<i32>} : memref<128x16xf32, #tpu.memory_space<vmem>>, vector<1x16xf32>,
    }
    %scan3A_10 = arith.constant 128 : i32
    %mul3A = arith.constant 640 : i32
    %mul3A_11 = arith.muli %arg1, %mul3A : i32
    %add3A = arith.constant 0 : i32
    %add3A_12 = arith.addi %mul3A_11, %add3A : i32
    "tpu.region"() ({
      %run_scoped3A = tpu.sem_alloc : memref<!tpu.dma_semaphore, #tpu.memory_space<semaphore_mem>>
      %dma_start3A = arith.constant 0 : i32
      %dma_start3A_40 = tpu.memref_slice %arg4[%add3A_12, %dma_start3A] : memref<10240x16xf32, #tpu.memory_space<vmem_shared>> -> memref<128x16xf32, #tpu.memory_space<vmem_shared>>
      %dma_start3A_41 = arith.constant 0 : i32
      %dma_start3A_42 = tpu.memref_slice %arg4[%add3A_12, %dma_start3A_41] : memref<10240x16xf32, #tpu.memory_space<vmem_shared>> -> memref<128x16xf32, #tpu.memory_space<vmem_shared>>
      tpu.enqueue_dma source(%arg7 : memref<128x16xf32, #tpu.memory_space<vmem>>) target(%dma_start3A_42 : memref<128x16xf32, #tpu.memory_space<vmem_shared>>) target_semaphore(%run_scoped3A : memref<!tpu.dma_semaphore, #tpu.memory_space<semaphore_mem>>)
      %dma_wait3A = arith.constant 0 : i32
      %dma_wait3A_43 = tpu.memref_slice %arg4[%add3A_12, %dma_wait3A] : memref<10240x16xf32, #tpu.memory_space<vmem_shared>> -> memref<128x16xf32, #tpu.memory_space<vmem_shared>>
      %dma_wait3A_44 = arith.constant 0 : i32
      %dma_wait3A_45 = tpu.memref_slice %arg4[%add3A_12, %dma_wait3A_44] : memref<10240x16xf32, #tpu.memory_space<vmem_shared>> -> memref<128x16xf32, #tpu.memory_space<vmem_shared>>
      tpu.wait_dma2 semaphore(%run_scoped3A : memref<!tpu.dma_semaphore, #tpu.memory_space<semaphore_mem>>) src(%arg7 : memref<128x16xf32, #tpu.memory_space<vmem>>) dst(%dma_wait3A_45 : memref<128x16xf32, #tpu.memory_space<vmem_shared>>)
      tpu.yield
    }) : () -> ()
    %mul3A_13 = arith.constant 640 : i32
    %mul3A_14 = arith.muli %arg1, %mul3A_13 : i32
    %add3A_15 = arith.constant 128 : i32
    %add3A_16 = arith.addi %mul3A_14, %add3A_15 : i32
    "tpu.region"() ({
      %run_scoped3A = tpu.sem_alloc : memref<!tpu.dma_semaphore, #tpu.memory_space<semaphore_mem>>
      %dma_start3A = arith.constant 0 : i32
      %dma_start3A_40 = tpu.memref_slice %arg4[%add3A_16, %dma_start3A] : memref<10240x16xf32, #tpu.memory_space<vmem_shared>> -> memref<128x16xf32, #tpu.memory_space<vmem_shared>>
      %dma_start3A_41 = arith.constant 0 : i32
      %dma_start3A_42 = tpu.memref_slice %arg4[%add3A_16, %dma_start3A_41] : memref<10240x16xf32, #tpu.memory_space<vmem_shared>> -> memref<128x16xf32, #tpu.memory_space<vmem_shared>>
      tpu.enqueue_dma source(%arg7 : memref<128x16xf32, #tpu.memory_space<vmem>>) target(%dma_start3A_42 : memref<128x16xf32, #tpu.memory_space<vmem_shared>>) target_semaphore(%run_scoped3A : memref<!tpu.dma_semaphore, #tpu.memory_space<semaphore_mem>>)
      %dma_wait3A = arith.constant 0 : i32
      %dma_wait3A_43 = tpu.memref_slice %arg4[%add3A_16, %dma_wait3A] : memref<10240x16xf32, #tpu.memory_space<vmem_shared>> -> memref<128x16xf32, #tpu.memory_space<vmem_shared>>
      %dma_wait3A_44 = arith.constant 0 : i32
      %dma_wait3A_45 = tpu.memref_slice %arg4[%add3A_16, %dma_wait3A_44] : memref<10240x16xf32, #tpu.memory_space<vmem_shared>> -> memref<128x16xf32, #tpu.memory_space<vmem_shared>>
      tpu.wait_dma2 semaphore(%run_scoped3A : memref<!tpu.dma_semaphore, #tpu.memory_space<semaphore_mem>>) src(%arg7 : memref<128x16xf32, #tpu.memory_space<vmem>>) dst(%dma_wait3A_45 : memref<128x16xf32, #tpu.memory_space<vmem_shared>>)
      tpu.yield
    }) : () -> ()
    %mul3A_17 = arith.constant 640 : i32
    %mul3A_18 = arith.muli %arg1, %mul3A_17 : i32
    %add3A_19 = arith.constant 256 : i32
    %add3A_20 = arith.addi %mul3A_18, %add3A_19 : i32
    "tpu.region"() ({
      %run_scoped3A = tpu.sem_alloc : memref<!tpu.dma_semaphore, #tpu.memory_space<semaphore_mem>>
      %dma_start3A = arith.constant 0 : i32
      %dma_start3A_40 = tpu.memref_slice %arg4[%add3A_20, %dma_start3A] : memref<10240x16xf32, #tpu.memory_space<vmem_shared>> -> memref<128x16xf32, #tpu.memory_space<vmem_shared>>
      %dma_start3A_41 = arith.constant 0 : i32
      %dma_start3A_42 = tpu.memref_slice %arg4[%add3A_20, %dma_start3A_41] : memref<10240x16xf32, #tpu.memory_space<vmem_shared>> -> memref<128x16xf32, #tpu.memory_space<vmem_shared>>
      tpu.enqueue_dma source(%arg7 : memref<128x16xf32, #tpu.memory_space<vmem>>) target(%dma_start3A_42 : memref<128x16xf32, #tpu.memory_space<vmem_shared>>) target_semaphore(%run_scoped3A : memref<!tpu.dma_semaphore, #tpu.memory_space<semaphore_mem>>)
      %dma_wait3A = arith.constant 0 : i32
      %dma_wait3A_43 = tpu.memref_slice %arg4[%add3A_20, %dma_wait3A] : memref<10240x16xf32, #tpu.memory_space<vmem_shared>> -> memref<128x16xf32, #tpu.memory_space<vmem_shared>>
      %dma_wait3A_44 = arith.constant 0 : i32
      %dma_wait3A_45 = tpu.memref_slice %arg4[%add3A_20, %dma_wait3A_44] : memref<10240x16xf32, #tpu.memory_space<vmem_shared>> -> memref<128x16xf32, #tpu.memory_space<vmem_shared>>
      tpu.wait_dma2 semaphore(%run_scoped3A : memref<!tpu.dma_semaphore, #tpu.memory_space<semaphore_mem>>) src(%arg7 : memref<128x16xf32, #tpu.memory_space<vmem>>) dst(%dma_wait3A_45 : memref<128x16xf32, #tpu.memory_space<vmem_shared>>)
      tpu.yield
    }) : () -> ()
    %mul3A_21 = arith.constant 640 : i32
    %mul3A_22 = arith.muli %arg1, %mul3A_21 : i32
    %add3A_23 = arith.constant 384 : i32
    %add3A_24 = arith.addi %mul3A_22, %add3A_23 : i32
    "tpu.region"() ({
      %run_scoped3A = tpu.sem_alloc : memref<!tpu.dma_semaphore, #tpu.memory_space<semaphore_mem>>
      %dma_start3A = arith.constant 0 : i32
      %dma_start3A_40 = tpu.memref_slice %arg4[%add3A_24, %dma_start3A] : memref<10240x16xf32, #tpu.memory_space<vmem_shared>> -> memref<128x16xf32, #tpu.memory_space<vmem_shared>>
      %dma_start3A_41 = arith.constant 0 : i32
      %dma_start3A_42 = tpu.memref_slice %arg4[%add3A_24, %dma_start3A_41] : memref<10240x16xf32, #tpu.memory_space<vmem_shared>> -> memref<128x16xf32, #tpu.memory_space<vmem_shared>>
      tpu.enqueue_dma source(%arg7 : memref<128x16xf32, #tpu.memory_space<vmem>>) target(%dma_start3A_42 : memref<128x16xf32, #tpu.memory_space<vmem_shared>>) target_semaphore(%run_scoped3A : memref<!tpu.dma_semaphore, #tpu.memory_space<semaphore_mem>>)
      %dma_wait3A = arith.constant 0 : i32
      %dma_wait3A_43 = tpu.memref_slice %arg4[%add3A_24, %dma_wait3A] : memref<10240x16xf32, #tpu.memory_space<vmem_shared>> -> memref<128x16xf32, #tpu.memory_space<vmem_shared>>
      %dma_wait3A_44 = arith.constant 0 : i32
      %dma_wait3A_45 = tpu.memref_slice %arg4[%add3A_24, %dma_wait3A_44] : memref<10240x16xf32, #tpu.memory_space<vmem_shared>> -> memref<128x16xf32, #tpu.memory_space<vmem_shared>>
      tpu.wait_dma2 semaphore(%run_scoped3A : memref<!tpu.dma_semaphore, #tpu.memory_space<semaphore_mem>>) src(%arg7 : memref<128x16xf32, #tpu.memory_space<vmem>>) dst(%dma_wait3A_45 : memref<128x16xf32, #tpu.memory_space<vmem_shared>>)
      tpu.yield
    }) : () -> ()
    %mul3A_25 = arith.constant 640 : i32
    %mul3A_26 = arith.muli %arg1, %mul3A_25 : i32
    %add3A_27 = arith.constant 512 : i32
    %add3A_28 = arith.addi %mul3A_26, %add3A_27 : i32
    "tpu.region"() ({
      %run_scoped3A = tpu.sem_alloc : memref<!tpu.dma_semaphore, #tpu.memory_space<semaphore_mem>>
      %dma_start3A = arith.constant 0 : i32
      %dma_start3A_40 = tpu.memref_slice %arg4[%add3A_28, %dma_start3A] : memref<10240x16xf32, #tpu.memory_space<vmem_shared>> -> memref<128x16xf32, #tpu.memory_space<vmem_shared>>
      %dma_start3A_41 = arith.constant 0 : i32
      %dma_start3A_42 = tpu.memref_slice %arg4[%add3A_28, %dma_start3A_41] : memref<10240x16xf32, #tpu.memory_space<vmem_shared>> -> memref<128x16xf32, #tpu.memory_space<vmem_shared>>
      tpu.enqueue_dma source(%arg7 : memref<128x16xf32, #tpu.memory_space<vmem>>) target(%dma_start3A_42 : memref<128x16xf32, #tpu.memory_space<vmem_shared>>) target_semaphore(%run_scoped3A : memref<!tpu.dma_semaphore, #tpu.memory_space<semaphore_mem>>)
      %dma_wait3A = arith.constant 0 : i32
      %dma_wait3A_43 = tpu.memref_slice %arg4[%add3A_28, %dma_wait3A] : memref<10240x16xf32, #tpu.memory_space<vmem_shared>> -> memref<128x16xf32, #tpu.memory_space<vmem_shared>>
      %dma_wait3A_44 = arith.constant 0 : i32
      %dma_wait3A_45 = tpu.memref_slice %arg4[%add3A_28, %dma_wait3A_44] : memref<10240x16xf32, #tpu.memory_space<vmem_shared>> -> memref<128x16xf32, #tpu.memory_space<vmem_shared>>
      tpu.wait_dma2 semaphore(%run_scoped3A : memref<!tpu.dma_semaphore, #tpu.memory_space<semaphore_mem>>) src(%arg7 : memref<128x16xf32, #tpu.memory_space<vmem>>) dst(%dma_wait3A_45 : memref<128x16xf32, #tpu.memory_space<vmem_shared>>)
      tpu.yield
    }) : () -> ()
    "tpu.region"() ({
      %run_scoped3A = tpu.sem_alloc : memref<!tpu.dma_semaphore, #tpu.memory_space<semaphore_mem>>
      %dma_start3A = arith.constant 0 : i32
      %dma_start3A_40 = arith.constant 0 : i32
      %dma_start3A_41 = tpu.memref_slice %arg2[%arg0, %arg1, %dma_start3A, %dma_start3A_40] : memref<2x16x80x128xi32, #tpu.memory_space<hbm>> -> memref<1x1x80x128xi32, #tpu.memory_space<hbm>>
      %dma_start3A_42 = tpu.memref_squeeze %dma_start3A_41 : memref<1x1x80x128xi32, #tpu.memory_space<hbm>> -> memref<80x128xi32, #tpu.memory_space<hbm>>
      %dma_start3A_43 = arith.constant 0 : i32
      %dma_start3A_44 = arith.constant 0 : i32
      %dma_start3A_45 = tpu.memref_slice %arg2[%arg0, %arg1, %dma_start3A_43, %dma_start3A_44] : memref<2x16x80x128xi32, #tpu.memory_space<hbm>> -> memref<1x1x80x128xi32, #tpu.memory_space<hbm>>
      %dma_start3A_46 = tpu.memref_squeeze %dma_start3A_45 : memref<1x1x80x128xi32, #tpu.memory_space<hbm>> -> memref<80x128xi32, #tpu.memory_space<hbm>>
      tpu.enqueue_dma source(%dma_start3A_46 : memref<80x128xi32, #tpu.memory_space<hbm>>) target(%arg5 : memref<80x128xi32, #tpu.memory_space<vmem>>) target_semaphore(%run_scoped3A : memref<!tpu.dma_semaphore, #tpu.memory_space<semaphore_mem>>)
      %dma_wait3A = arith.constant 0 : i32
      %dma_wait3A_47 = arith.constant 0 : i32
      %dma_wait3A_48 = tpu.memref_slice %arg2[%arg0, %arg1, %dma_wait3A, %dma_wait3A_47] : memref<2x16x80x128xi32, #tpu.memory_space<hbm>> -> memref<1x1x80x128xi32, #tpu.memory_space<hbm>>
      %dma_wait3A_49 = tpu.memref_squeeze %dma_wait3A_48 : memref<1x1x80x128xi32, #tpu.memory_space<hbm>> -> memref<80x128xi32, #tpu.memory_space<hbm>>
      %dma_wait3A_50 = arith.constant 0 : i32
      %dma_wait3A_51 = arith.constant 0 : i32
      %dma_wait3A_52 = tpu.memref_slice %arg2[%arg0, %arg1, %dma_wait3A_50, %dma_wait3A_51] : memref<2x16x80x128xi32, #tpu.memory_space<hbm>> -> memref<1x1x80x128xi32, #tpu.memory_space<hbm>>
      %dma_wait3A_53 = tpu.memref_squeeze %dma_wait3A_52 : memref<1x1x80x128xi32, #tpu.memory_space<hbm>> -> memref<80x128xi32, #tpu.memory_space<hbm>>
      tpu.wait_dma2 semaphore(%run_scoped3A : memref<!tpu.dma_semaphore, #tpu.memory_space<semaphore_mem>>) src(%dma_wait3A_53 : memref<80x128xi32, #tpu.memory_space<hbm>>) dst(%arg5 : memref<80x128xi32, #tpu.memory_space<vmem>>)
      tpu.yield
    }) : () -> ()
    %barrier3A = arith.constant 0 : index
    tpu.barrier barrier_id(%barrier3A)
    %scan3A_29 = arith.constant 0 : i32
    %scan3A_30 = arith.constant 0 : i32
    %scan3A_31 = arith.constant 80 : i32
    %scan3A_32 = arith.addi %scan3A_30, %scan3A_31 : i32
    %scan3A_33 = arith.constant 1 : i32
    scf.for %scan3A_40 = %scan3A_30 to %scan3A_32 step %scan3A_33  : i32 {
      "tpu.region"() ({
        %run_scoped3A = tpu.sem_alloc : memref<!tpu.dma_semaphore, #tpu.memory_space<semaphore_mem>>
        %dma_start3A = arith.constant 0 : i32
        %dma_start3A_41 = tpu.memref_slice %arg5[%scan3A_40, %dma_start3A] : memref<80x128xi32, #tpu.memory_space<vmem>> -> memref<1x128xi32, #tpu.memory_space<vmem>>
        %dma_start3A_42 = tpu.memref_squeeze %dma_start3A_41 : memref<1x128xi32, #tpu.memory_space<vmem>> -> memref<128xi32, #tpu.memory_space<vmem>>
        %dma_start3A_43 = arith.constant 0 : i32
        %dma_start3A_44 = arith.constant 0 : i32
        %dma_start3A_45 = tpu.memref_slice %arg4[%dma_start3A_43, %dma_start3A_44] : memref<10240x16xf32, #tpu.memory_space<vmem_shared>> -> memref<10240x16xf32, #tpu.memory_space<vmem_shared>>
        tpu.enqueue_indirect_dma source(%arg6 : memref<128x16xf32, #tpu.memory_space<vmem>>) target(%dma_start3A_45 : memref<10240x16xf32, #tpu.memory_space<vmem_shared>>) offsets(%dma_start3A_42 : memref<128xi32, #tpu.memory_space<vmem>>) semaphore(%run_scoped3A : memref<!tpu.dma_semaphore, #tpu.memory_space<semaphore_mem>>) {add = true}
        %dma_wait3A = arith.constant 0 : i32
        %dma_wait3A_46 = tpu.memref_slice %arg5[%scan3A_40, %dma_wait3A] : memref<80x128xi32, #tpu.memory_space<vmem>> -> memref<1x128xi32, #tpu.memory_space<vmem>>
        %dma_wait3A_47 = tpu.memref_squeeze %dma_wait3A_46 : memref<1x128xi32, #tpu.memory_space<vmem>> -> memref<128xi32, #tpu.memory_space<vmem>>
        %dma_wait3A_48 = arith.constant 0 : i32
        %dma_wait3A_49 = arith.constant 0 : i32
        %dma_wait3A_50 = tpu.memref_slice %arg4[%dma_wait3A_48, %dma_wait3A_49] : memref<10240x16xf32, #tpu.memory_space<vmem_shared>> -> memref<10240x16xf32, #tpu.memory_space<vmem_shared>>
        tpu.wait_indirect_dma semaphore(%run_scoped3A : memref<!tpu.dma_semaphore, #tpu.memory_space<semaphore_mem>>) src(%arg6 : memref<128x16xf32, #tpu.memory_space<vmem>>) dst(%dma_wait3A_50 : memref<10240x16xf32, #tpu.memory_space<vmem_shared>>)
        tpu.yield
      }) : () -> ()
    }
    %scan3A_34 = arith.constant 80 : i32
    %barrier3A_35 = arith.constant 0 : index
    tpu.barrier barrier_id(%barrier3A_35)
    %mul3A_36 = arith.constant 640 : i32
    %mul3A_37 = arith.muli %arg1, %mul3A_36 : i32
    %mul3A_38 = arith.constant 640 : i32
    %mul3A_39 = arith.muli %arg1, %mul3A_38 : i32
    "tpu.region"() ({
      %run_scoped3A = tpu.sem_alloc : memref<!tpu.dma_semaphore, #tpu.memory_space<semaphore_mem>>
      %dma_start3A = arith.constant 0 : i32
      %dma_start3A_40 = tpu.memref_slice %arg3[%arg0, %mul3A_39, %dma_start3A] : memref<2x10240x16xf32, #tpu.memory_space<hbm>> -> memref<1x640x16xf32, #tpu.memory_space<hbm>>
      %dma_start3A_41 = tpu.memref_squeeze %dma_start3A_40 : memref<1x640x16xf32, #tpu.memory_space<hbm>> -> memref<640x16xf32, #tpu.memory_space<hbm>>
      %dma_start3A_42 = arith.constant 0 : i32
      %dma_start3A_43 = tpu.memref_slice %arg4[%mul3A_37, %dma_start3A_42] : memref<10240x16xf32, #tpu.memory_space<vmem_shared>> -> memref<640x16xf32, #tpu.memory_space<vmem_shared>>
      tpu.enqueue_dma source(%dma_start3A_43 : memref<640x16xf32, #tpu.memory_space<vmem_shared>>) target(%dma_start3A_41 : memref<640x16xf32, #tpu.memory_space<hbm>>) target_semaphore(%run_scoped3A : memref<!tpu.dma_semaphore, #tpu.memory_space<semaphore_mem>>)
      %dma_wait3A = arith.constant 0 : i32
      %dma_wait3A_44 = tpu.memref_slice %arg3[%arg0, %mul3A_39, %dma_wait3A] : memref<2x10240x16xf32, #tpu.memory_space<hbm>> -> memref<1x640x16xf32, #tpu.memory_space<hbm>>
      %dma_wait3A_45 = tpu.memref_squeeze %dma_wait3A_44 : memref<1x640x16xf32, #tpu.memory_space<hbm>> -> memref<640x16xf32, #tpu.memory_space<hbm>>
      %dma_wait3A_46 = arith.constant 0 : i32
      %dma_wait3A_47 = tpu.memref_slice %arg4[%mul3A_37, %dma_wait3A_46] : memref<10240x16xf32, #tpu.memory_space<vmem_shared>> -> memref<640x16xf32, #tpu.memory_space<vmem_shared>>
      tpu.wait_dma2 semaphore(%run_scoped3A : memref<!tpu.dma_semaphore, #tpu.memory_space<semaphore_mem>>) src(%dma_wait3A_47 : memref<640x16xf32, #tpu.memory_space<vmem_shared>>) dst(%dma_wait3A_45 : memref<640x16xf32, #tpu.memory_space<hbm>>)
      tpu.yield
    }) : () -> ()
    return
  }
}

#map = affine_map<(d0, d1) -> (0, 0)>
#map1 = affine_map<(d0, d1) -> (0, 0, 0)>
#map2 = affine_map<(d0, d1) -> (0, 0, 0, 0)>
module attributes {stable_mosaic.version = 14 : i64} {
  func.func @_scatter_body(%arg0: i32, %arg1: i32, %arg2: memref<10000x128xf32, #tpu.memory_space<hbm>>, %arg3: memref<2x16x10000xi32, #tpu.memory_space<hbm>>, %arg4: memref<2x16x125x80xi32, #tpu.memory_space<hbm>>, %arg5: memref<2x10240x128xf32, #tpu.memory_space<hbm>>, %arg6: memref<10240x128xf32, #tpu.memory_space<vmem_shared>>, %arg7: memref<10000xi32, #tpu.memory_space<vmem>>, %arg8: memref<125x80xi32, #tpu.memory_space<vmem>>, %arg9: memref<80x128xf32, #tpu.memory_space<vmem>>, %arg10: memref<80x128xf32, #tpu.memory_space<vmem>>, %arg11: memref<!tpu.dma_semaphore, #tpu.memory_space<semaphore_mem>>, %arg12: memref<!tpu.dma_semaphore, #tpu.memory_space<semaphore_mem>>) attributes {dimension_semantics = [#tpu.dimension_semantics<core_parallel>, #tpu.dimension_semantics<subcore_parallel>], iteration_bounds = array<i64: 2, 16>, scalar_prefetch = 0 : i64, scratch_operands = 7 : i64, tpu.core_type = #tpu.core_type<sc_vector_subcore>, window_params = [{transform_indices = #map}, {transform_indices = #map1}, {transform_indices = #map2}, {transform_indices = #map1}]} {
    "tpu.region"() ({
      %run_scoped3A_59 = tpu.sem_alloc : memref<!tpu.dma_semaphore, #tpu.memory_space<semaphore_mem>>
      %dma_start3A_60 = arith.constant 0 : i32
      %dma_start3A_61 = tpu.memref_slice %arg3[%arg0, %arg1, %dma_start3A_60] : memref<2x16x10000xi32, #tpu.memory_space<hbm>> -> memref<1x1x10000xi32, #tpu.memory_space<hbm>>
      %dma_start3A_62 = tpu.memref_squeeze %dma_start3A_61 : memref<1x1x10000xi32, #tpu.memory_space<hbm>> -> memref<10000xi32, #tpu.memory_space<hbm>>
      %dma_start3A_63 = arith.constant 0 : i32
      %dma_start3A_64 = tpu.memref_slice %arg3[%arg0, %arg1, %dma_start3A_63] : memref<2x16x10000xi32, #tpu.memory_space<hbm>> -> memref<1x1x10000xi32, #tpu.memory_space<hbm>>
      %dma_start3A_65 = tpu.memref_squeeze %dma_start3A_64 : memref<1x1x10000xi32, #tpu.memory_space<hbm>> -> memref<10000xi32, #tpu.memory_space<hbm>>
      tpu.enqueue_dma source(%dma_start3A_65 : memref<10000xi32, #tpu.memory_space<hbm>>) target(%arg7 : memref<10000xi32, #tpu.memory_space<vmem>>) target_semaphore(%run_scoped3A_59 : memref<!tpu.dma_semaphore, #tpu.memory_space<semaphore_mem>>)
      %dma_wait3A_66 = arith.constant 0 : i32
      %dma_wait3A_67 = tpu.memref_slice %arg3[%arg0, %arg1, %dma_wait3A_66] : memref<2x16x10000xi32, #tpu.memory_space<hbm>> -> memref<1x1x10000xi32, #tpu.memory_space<hbm>>
      %dma_wait3A_68 = tpu.memref_squeeze %dma_wait3A_67 : memref<1x1x10000xi32, #tpu.memory_space<hbm>> -> memref<10000xi32, #tpu.memory_space<hbm>>
      %dma_wait3A_69 = arith.constant 0 : i32
      %dma_wait3A_70 = tpu.memref_slice %arg3[%arg0, %arg1, %dma_wait3A_69] : memref<2x16x10000xi32, #tpu.memory_space<hbm>> -> memref<1x1x10000xi32, #tpu.memory_space<hbm>>
      %dma_wait3A_71 = tpu.memref_squeeze %dma_wait3A_70 : memref<1x1x10000xi32, #tpu.memory_space<hbm>> -> memref<10000xi32, #tpu.memory_space<hbm>>
      tpu.wait_dma2 semaphore(%run_scoped3A_59 : memref<!tpu.dma_semaphore, #tpu.memory_space<semaphore_mem>>) src(%dma_wait3A_71 : memref<10000xi32, #tpu.memory_space<hbm>>) dst(%arg7 : memref<10000xi32, #tpu.memory_space<vmem>>)
      tpu.yield
    }) : () -> ()
    "tpu.region"() ({
      %run_scoped3A_59 = tpu.sem_alloc : memref<!tpu.dma_semaphore, #tpu.memory_space<semaphore_mem>>
      %dma_start3A_60 = arith.constant 0 : i32
      %dma_start3A_61 = arith.constant 0 : i32
      %dma_start3A_62 = tpu.memref_slice %arg4[%arg0, %arg1, %dma_start3A_60, %dma_start3A_61] : memref<2x16x125x80xi32, #tpu.memory_space<hbm>> -> memref<1x1x125x80xi32, #tpu.memory_space<hbm>>
      %dma_start3A_63 = tpu.memref_squeeze %dma_start3A_62 : memref<1x1x125x80xi32, #tpu.memory_space<hbm>> -> memref<125x80xi32, #tpu.memory_space<hbm>>
      %dma_start3A_64 = arith.constant 0 : i32
      %dma_start3A_65 = arith.constant 0 : i32
      %dma_start3A_66 = tpu.memref_slice %arg4[%arg0, %arg1, %dma_start3A_64, %dma_start3A_65] : memref<2x16x125x80xi32, #tpu.memory_space<hbm>> -> memref<1x1x125x80xi32, #tpu.memory_space<hbm>>
      %dma_start3A_67 = tpu.memref_squeeze %dma_start3A_66 : memref<1x1x125x80xi32, #tpu.memory_space<hbm>> -> memref<125x80xi32, #tpu.memory_space<hbm>>
      tpu.enqueue_dma source(%dma_start3A_67 : memref<125x80xi32, #tpu.memory_space<hbm>>) target(%arg8 : memref<125x80xi32, #tpu.memory_space<vmem>>) target_semaphore(%run_scoped3A_59 : memref<!tpu.dma_semaphore, #tpu.memory_space<semaphore_mem>>)
      %dma_wait3A_68 = arith.constant 0 : i32
      %dma_wait3A_69 = arith.constant 0 : i32
      %dma_wait3A_70 = tpu.memref_slice %arg4[%arg0, %arg1, %dma_wait3A_68, %dma_wait3A_69] : memref<2x16x125x80xi32, #tpu.memory_space<hbm>> -> memref<1x1x125x80xi32, #tpu.memory_space<hbm>>
      %dma_wait3A_71 = tpu.memref_squeeze %dma_wait3A_70 : memref<1x1x125x80xi32, #tpu.memory_space<hbm>> -> memref<125x80xi32, #tpu.memory_space<hbm>>
      %dma_wait3A_72 = arith.constant 0 : i32
      %dma_wait3A_73 = arith.constant 0 : i32
      %dma_wait3A_74 = tpu.memref_slice %arg4[%arg0, %arg1, %dma_wait3A_72, %dma_wait3A_73] : memref<2x16x125x80xi32, #tpu.memory_space<hbm>> -> memref<1x1x125x80xi32, #tpu.memory_space<hbm>>
      %dma_wait3A_75 = tpu.memref_squeeze %dma_wait3A_74 : memref<1x1x125x80xi32, #tpu.memory_space<hbm>> -> memref<125x80xi32, #tpu.memory_space<hbm>>
      tpu.wait_dma2 semaphore(%run_scoped3A_59 : memref<!tpu.dma_semaphore, #tpu.memory_space<semaphore_mem>>) src(%dma_wait3A_75 : memref<125x80xi32, #tpu.memory_space<hbm>>) dst(%arg8 : memref<125x80xi32, #tpu.memory_space<vmem>>)
      tpu.yield
    }) : () -> ()
    %dma_start3A = arith.constant 0 : i32
    %dma_start3A_0 = tpu.memref_slice %arg7[%dma_start3A] : memref<10000xi32, #tpu.memory_space<vmem>> -> memref<80xi32, #tpu.memory_space<vmem>>
    %dma_start3A_1 = arith.constant 0 : i32
    %dma_start3A_2 = arith.constant 0 : i32
    %dma_start3A_3 = tpu.memref_slice %arg2[%dma_start3A_1, %dma_start3A_2] : memref<10000x128xf32, #tpu.memory_space<hbm>> -> memref<10000x128xf32, #tpu.memory_space<hbm>>
    tpu.enqueue_indirect_dma source(%dma_start3A_3 : memref<10000x128xf32, #tpu.memory_space<hbm>>) target(%arg9 : memref<80x128xf32, #tpu.memory_space<vmem>>) offsets(%dma_start3A_0 : memref<80xi32, #tpu.memory_space<vmem>>) semaphore(%arg11 : memref<!tpu.dma_semaphore, #tpu.memory_space<semaphore_mem>>)
    %scan3A = arith.constant 0 : i32
    %scan3A_4 = arith.constant 0 : i32
    %scan3A_5 = arith.constant 80 : i32
    %scan3A_6 = arith.addi %scan3A_4, %scan3A_5 : i32
    %scan3A_7 = arith.constant 1 : i32
    scf.for %scan3A_59 = %scan3A_4 to %scan3A_6 step %scan3A_7  : i32 {
      %broadcast_in_dim3A = arith.constant 0.000000e+00 : f32
      %broadcast_in_dim3A_60 = vector.broadcast %broadcast_in_dim3A : f32 to vector<16xf32>
      %swap3A = arith.index_cast %scan3A_59 : i32 to index
      %swap3A_61 = arith.constant 0 : index
      %swap3A_62 = tpu.vector_load %arg10[%swap3A, %swap3A_61] {strides = array<i32>} : memref<80x128xf32, #tpu.memory_space<vmem>>, vector<1x16xf32>,
      %swap3A_63 = vector.shape_cast %swap3A_62 : vector<1x16xf32> to vector<16xf32>
      %swap3A_64 = vector.shape_cast %broadcast_in_dim3A_60 : vector<16xf32> to vector<1x16xf32>
      tpu.vector_store %arg10[%swap3A, %swap3A_61], %swap3A_64 {strides = array<i32>} : memref<80x128xf32, #tpu.memory_space<vmem>>, vector<1x16xf32>,
      %broadcast_in_dim3A_65 = arith.constant 0.000000e+00 : f32
      %broadcast_in_dim3A_66 = vector.broadcast %broadcast_in_dim3A_65 : f32 to vector<16xf32>
      %swap3A_67 = arith.index_cast %scan3A_59 : i32 to index
      %swap3A_68 = arith.constant 16 : index
      %swap3A_69 = tpu.vector_load %arg10[%swap3A_67, %swap3A_68] {strides = array<i32>} : memref<80x128xf32, #tpu.memory_space<vmem>>, vector<1x16xf32>,
      %swap3A_70 = vector.shape_cast %swap3A_69 : vector<1x16xf32> to vector<16xf32>
      %swap3A_71 = vector.shape_cast %broadcast_in_dim3A_66 : vector<16xf32> to vector<1x16xf32>
      tpu.vector_store %arg10[%swap3A_67, %swap3A_68], %swap3A_71 {strides = array<i32>} : memref<80x128xf32, #tpu.memory_space<vmem>>, vector<1x16xf32>,
      %broadcast_in_dim3A_72 = arith.constant 0.000000e+00 : f32
      %broadcast_in_dim3A_73 = vector.broadcast %broadcast_in_dim3A_72 : f32 to vector<16xf32>
      %swap3A_74 = arith.index_cast %scan3A_59 : i32 to index
      %swap3A_75 = arith.constant 32 : index
      %swap3A_76 = tpu.vector_load %arg10[%swap3A_74, %swap3A_75] {strides = array<i32>} : memref<80x128xf32, #tpu.memory_space<vmem>>, vector<1x16xf32>,
      %swap3A_77 = vector.shape_cast %swap3A_76 : vector<1x16xf32> to vector<16xf32>
      %swap3A_78 = vector.shape_cast %broadcast_in_dim3A_73 : vector<16xf32> to vector<1x16xf32>
      tpu.vector_store %arg10[%swap3A_74, %swap3A_75], %swap3A_78 {strides = array<i32>} : memref<80x128xf32, #tpu.memory_space<vmem>>, vector<1x16xf32>,
      %broadcast_in_dim3A_79 = arith.constant 0.000000e+00 : f32
      %broadcast_in_dim3A_80 = vector.broadcast %broadcast_in_dim3A_79 : f32 to vector<16xf32>
      %swap3A_81 = arith.index_cast %scan3A_59 : i32 to index
      %swap3A_82 = arith.constant 48 : index
      %swap3A_83 = tpu.vector_load %arg10[%swap3A_81, %swap3A_82] {strides = array<i32>} : memref<80x128xf32, #tpu.memory_space<vmem>>, vector<1x16xf32>,
      %swap3A_84 = vector.shape_cast %swap3A_83 : vector<1x16xf32> to vector<16xf32>
      %swap3A_85 = vector.shape_cast %broadcast_in_dim3A_80 : vector<16xf32> to vector<1x16xf32>
      tpu.vector_store %arg10[%swap3A_81, %swap3A_82], %swap3A_85 {strides = array<i32>} : memref<80x128xf32, #tpu.memory_space<vmem>>, vector<1x16xf32>,
      %broadcast_in_dim3A_86 = arith.constant 0.000000e+00 : f32
      %broadcast_in_dim3A_87 = vector.broadcast %broadcast_in_dim3A_86 : f32 to vector<16xf32>
      %swap3A_88 = arith.index_cast %scan3A_59 : i32 to index
      %swap3A_89 = arith.constant 64 : index
      %swap3A_90 = tpu.vector_load %arg10[%swap3A_88, %swap3A_89] {strides = array<i32>} : memref<80x128xf32, #tpu.memory_space<vmem>>, vector<1x16xf32>,
      %swap3A_91 = vector.shape_cast %swap3A_90 : vector<1x16xf32> to vector<16xf32>
      %swap3A_92 = vector.shape_cast %broadcast_in_dim3A_87 : vector<16xf32> to vector<1x16xf32>
      tpu.vector_store %arg10[%swap3A_88, %swap3A_89], %swap3A_92 {strides = array<i32>} : memref<80x128xf32, #tpu.memory_space<vmem>>, vector<1x16xf32>,
      %broadcast_in_dim3A_93 = arith.constant 0.000000e+00 : f32
      %broadcast_in_dim3A_94 = vector.broadcast %broadcast_in_dim3A_93 : f32 to vector<16xf32>
      %swap3A_95 = arith.index_cast %scan3A_59 : i32 to index
      %swap3A_96 = arith.constant 80 : index
      %swap3A_97 = tpu.vector_load %arg10[%swap3A_95, %swap3A_96] {strides = array<i32>} : memref<80x128xf32, #tpu.memory_space<vmem>>, vector<1x16xf32>,
      %swap3A_98 = vector.shape_cast %swap3A_97 : vector<1x16xf32> to vector<16xf32>
      %swap3A_99 = vector.shape_cast %broadcast_in_dim3A_94 : vector<16xf32> to vector<1x16xf32>
      tpu.vector_store %arg10[%swap3A_95, %swap3A_96], %swap3A_99 {strides = array<i32>} : memref<80x128xf32, #tpu.memory_space<vmem>>, vector<1x16xf32>,
      %broadcast_in_dim3A_100 = arith.constant 0.000000e+00 : f32
      %broadcast_in_dim3A_101 = vector.broadcast %broadcast_in_dim3A_100 : f32 to vector<16xf32>
      %swap3A_102 = arith.index_cast %scan3A_59 : i32 to index
      %swap3A_103 = arith.constant 96 : index
      %swap3A_104 = tpu.vector_load %arg10[%swap3A_102, %swap3A_103] {strides = array<i32>} : memref<80x128xf32, #tpu.memory_space<vmem>>, vector<1x16xf32>,
      %swap3A_105 = vector.shape_cast %swap3A_104 : vector<1x16xf32> to vector<16xf32>
      %swap3A_106 = vector.shape_cast %broadcast_in_dim3A_101 : vector<16xf32> to vector<1x16xf32>
      tpu.vector_store %arg10[%swap3A_102, %swap3A_103], %swap3A_106 {strides = array<i32>} : memref<80x128xf32, #tpu.memory_space<vmem>>, vector<1x16xf32>,
      %broadcast_in_dim3A_107 = arith.constant 0.000000e+00 : f32
      %broadcast_in_dim3A_108 = vector.broadcast %broadcast_in_dim3A_107 : f32 to vector<16xf32>
      %swap3A_109 = arith.index_cast %scan3A_59 : i32 to index
      %swap3A_110 = arith.constant 112 : index
      %swap3A_111 = tpu.vector_load %arg10[%swap3A_109, %swap3A_110] {strides = array<i32>} : memref<80x128xf32, #tpu.memory_space<vmem>>, vector<1x16xf32>,
      %swap3A_112 = vector.shape_cast %swap3A_111 : vector<1x16xf32> to vector<16xf32>
      %swap3A_113 = vector.shape_cast %broadcast_in_dim3A_108 : vector<16xf32> to vector<1x16xf32>
      tpu.vector_store %arg10[%swap3A_109, %swap3A_110], %swap3A_113 {strides = array<i32>} : memref<80x128xf32, #tpu.memory_space<vmem>>, vector<1x16xf32>,
    }
    %scan3A_8 = arith.constant 80 : i32
    %mul3A = arith.constant 640 : i32
    %mul3A_9 = arith.muli %arg1, %mul3A : i32
    %add3A = arith.constant 0 : i32
    %add3A_10 = arith.addi %mul3A_9, %add3A : i32
    "tpu.region"() ({
      %run_scoped3A_59 = tpu.sem_alloc : memref<!tpu.dma_semaphore, #tpu.memory_space<semaphore_mem>>
      %dma_start3A_60 = arith.constant 0 : i32
      %dma_start3A_61 = tpu.memref_slice %arg6[%add3A_10, %dma_start3A_60] : memref<10240x128xf32, #tpu.memory_space<vmem_shared>> -> memref<80x128xf32, #tpu.memory_space<vmem_shared>>
      %dma_start3A_62 = arith.constant 0 : i32
      %dma_start3A_63 = tpu.memref_slice %arg6[%add3A_10, %dma_start3A_62] : memref<10240x128xf32, #tpu.memory_space<vmem_shared>> -> memref<80x128xf32, #tpu.memory_space<vmem_shared>>
      tpu.enqueue_dma source(%arg10 : memref<80x128xf32, #tpu.memory_space<vmem>>) target(%dma_start3A_63 : memref<80x128xf32, #tpu.memory_space<vmem_shared>>) target_semaphore(%run_scoped3A_59 : memref<!tpu.dma_semaphore, #tpu.memory_space<semaphore_mem>>)
      %dma_wait3A_64 = arith.constant 0 : i32
      %dma_wait3A_65 = tpu.memref_slice %arg6[%add3A_10, %dma_wait3A_64] : memref<10240x128xf32, #tpu.memory_space<vmem_shared>> -> memref<80x128xf32, #tpu.memory_space<vmem_shared>>
      %dma_wait3A_66 = arith.constant 0 : i32
      %dma_wait3A_67 = tpu.memref_slice %arg6[%add3A_10, %dma_wait3A_66] : memref<10240x128xf32, #tpu.memory_space<vmem_shared>> -> memref<80x128xf32, #tpu.memory_space<vmem_shared>>
      tpu.wait_dma2 semaphore(%run_scoped3A_59 : memref<!tpu.dma_semaphore, #tpu.memory_space<semaphore_mem>>) src(%arg10 : memref<80x128xf32, #tpu.memory_space<vmem>>) dst(%dma_wait3A_67 : memref<80x128xf32, #tpu.memory_space<vmem_shared>>)
      tpu.yield
    }) : () -> ()
    %mul3A_11 = arith.constant 640 : i32
    %mul3A_12 = arith.muli %arg1, %mul3A_11 : i32
    %add3A_13 = arith.constant 80 : i32
    %add3A_14 = arith.addi %mul3A_12, %add3A_13 : i32
    "tpu.region"() ({
      %run_scoped3A_59 = tpu.sem_alloc : memref<!tpu.dma_semaphore, #tpu.memory_space<semaphore_mem>>
      %dma_start3A_60 = arith.constant 0 : i32
      %dma_start3A_61 = tpu.memref_slice %arg6[%add3A_14, %dma_start3A_60] : memref<10240x128xf32, #tpu.memory_space<vmem_shared>> -> memref<80x128xf32, #tpu.memory_space<vmem_shared>>
      %dma_start3A_62 = arith.constant 0 : i32
      %dma_start3A_63 = tpu.memref_slice %arg6[%add3A_14, %dma_start3A_62] : memref<10240x128xf32, #tpu.memory_space<vmem_shared>> -> memref<80x128xf32, #tpu.memory_space<vmem_shared>>
      tpu.enqueue_dma source(%arg10 : memref<80x128xf32, #tpu.memory_space<vmem>>) target(%dma_start3A_63 : memref<80x128xf32, #tpu.memory_space<vmem_shared>>) target_semaphore(%run_scoped3A_59 : memref<!tpu.dma_semaphore, #tpu.memory_space<semaphore_mem>>)
      %dma_wait3A_64 = arith.constant 0 : i32
      %dma_wait3A_65 = tpu.memref_slice %arg6[%add3A_14, %dma_wait3A_64] : memref<10240x128xf32, #tpu.memory_space<vmem_shared>> -> memref<80x128xf32, #tpu.memory_space<vmem_shared>>
      %dma_wait3A_66 = arith.constant 0 : i32
      %dma_wait3A_67 = tpu.memref_slice %arg6[%add3A_14, %dma_wait3A_66] : memref<10240x128xf32, #tpu.memory_space<vmem_shared>> -> memref<80x128xf32, #tpu.memory_space<vmem_shared>>
      tpu.wait_dma2 semaphore(%run_scoped3A_59 : memref<!tpu.dma_semaphore, #tpu.memory_space<semaphore_mem>>) src(%arg10 : memref<80x128xf32, #tpu.memory_space<vmem>>) dst(%dma_wait3A_67 : memref<80x128xf32, #tpu.memory_space<vmem_shared>>)
      tpu.yield
    }) : () -> ()
    %mul3A_15 = arith.constant 640 : i32
    %mul3A_16 = arith.muli %arg1, %mul3A_15 : i32
    %add3A_17 = arith.constant 160 : i32
    %add3A_18 = arith.addi %mul3A_16, %add3A_17 : i32
    "tpu.region"() ({
      %run_scoped3A_59 = tpu.sem_alloc : memref<!tpu.dma_semaphore, #tpu.memory_space<semaphore_mem>>
      %dma_start3A_60 = arith.constant 0 : i32
      %dma_start3A_61 = tpu.memref_slice %arg6[%add3A_18, %dma_start3A_60] : memref<10240x128xf32, #tpu.memory_space<vmem_shared>> -> memref<80x128xf32, #tpu.memory_space<vmem_shared>>
      %dma_start3A_62 = arith.constant 0 : i32
      %dma_start3A_63 = tpu.memref_slice %arg6[%add3A_18, %dma_start3A_62] : memref<10240x128xf32, #tpu.memory_space<vmem_shared>> -> memref<80x128xf32, #tpu.memory_space<vmem_shared>>
      tpu.enqueue_dma source(%arg10 : memref<80x128xf32, #tpu.memory_space<vmem>>) target(%dma_start3A_63 : memref<80x128xf32, #tpu.memory_space<vmem_shared>>) target_semaphore(%run_scoped3A_59 : memref<!tpu.dma_semaphore, #tpu.memory_space<semaphore_mem>>)
      %dma_wait3A_64 = arith.constant 0 : i32
      %dma_wait3A_65 = tpu.memref_slice %arg6[%add3A_18, %dma_wait3A_64] : memref<10240x128xf32, #tpu.memory_space<vmem_shared>> -> memref<80x128xf32, #tpu.memory_space<vmem_shared>>
      %dma_wait3A_66 = arith.constant 0 : i32
      %dma_wait3A_67 = tpu.memref_slice %arg6[%add3A_18, %dma_wait3A_66] : memref<10240x128xf32, #tpu.memory_space<vmem_shared>> -> memref<80x128xf32, #tpu.memory_space<vmem_shared>>
      tpu.wait_dma2 semaphore(%run_scoped3A_59 : memref<!tpu.dma_semaphore, #tpu.memory_space<semaphore_mem>>) src(%arg10 : memref<80x128xf32, #tpu.memory_space<vmem>>) dst(%dma_wait3A_67 : memref<80x128xf32, #tpu.memory_space<vmem_shared>>)
      tpu.yield
    }) : () -> ()
    %mul3A_19 = arith.constant 640 : i32
    %mul3A_20 = arith.muli %arg1, %mul3A_19 : i32
    %add3A_21 = arith.constant 240 : i32
    %add3A_22 = arith.addi %mul3A_20, %add3A_21 : i32
    "tpu.region"() ({
      %run_scoped3A_59 = tpu.sem_alloc : memref<!tpu.dma_semaphore, #tpu.memory_space<semaphore_mem>>
      %dma_start3A_60 = arith.constant 0 : i32
      %dma_start3A_61 = tpu.memref_slice %arg6[%add3A_22, %dma_start3A_60] : memref<10240x128xf32, #tpu.memory_space<vmem_shared>> -> memref<80x128xf32, #tpu.memory_space<vmem_shared>>
      %dma_start3A_62 = arith.constant 0 : i32
      %dma_start3A_63 = tpu.memref_slice %arg6[%add3A_22, %dma_start3A_62] : memref<10240x128xf32, #tpu.memory_space<vmem_shared>> -> memref<80x128xf32, #tpu.memory_space<vmem_shared>>
      tpu.enqueue_dma source(%arg10 : memref<80x128xf32, #tpu.memory_space<vmem>>) target(%dma_start3A_63 : memref<80x128xf32, #tpu.memory_space<vmem_shared>>) target_semaphore(%run_scoped3A_59 : memref<!tpu.dma_semaphore, #tpu.memory_space<semaphore_mem>>)
      %dma_wait3A_64 = arith.constant 0 : i32
      %dma_wait3A_65 = tpu.memref_slice %arg6[%add3A_22, %dma_wait3A_64] : memref<10240x128xf32, #tpu.memory_space<vmem_shared>> -> memref<80x128xf32, #tpu.memory_space<vmem_shared>>
      %dma_wait3A_66 = arith.constant 0 : i32
      %dma_wait3A_67 = tpu.memref_slice %arg6[%add3A_22, %dma_wait3A_66] : memref<10240x128xf32, #tpu.memory_space<vmem_shared>> -> memref<80x128xf32, #tpu.memory_space<vmem_shared>>
      tpu.wait_dma2 semaphore(%run_scoped3A_59 : memref<!tpu.dma_semaphore, #tpu.memory_space<semaphore_mem>>) src(%arg10 : memref<80x128xf32, #tpu.memory_space<vmem>>) dst(%dma_wait3A_67 : memref<80x128xf32, #tpu.memory_space<vmem_shared>>)
      tpu.yield
    }) : () -> ()
    %mul3A_23 = arith.constant 640 : i32
    %mul3A_24 = arith.muli %arg1, %mul3A_23 : i32
    %add3A_25 = arith.constant 320 : i32
    %add3A_26 = arith.addi %mul3A_24, %add3A_25 : i32
    "tpu.region"() ({
      %run_scoped3A_59 = tpu.sem_alloc : memref<!tpu.dma_semaphore, #tpu.memory_space<semaphore_mem>>
      %dma_start3A_60 = arith.constant 0 : i32
      %dma_start3A_61 = tpu.memref_slice %arg6[%add3A_26, %dma_start3A_60] : memref<10240x128xf32, #tpu.memory_space<vmem_shared>> -> memref<80x128xf32, #tpu.memory_space<vmem_shared>>
      %dma_start3A_62 = arith.constant 0 : i32
      %dma_start3A_63 = tpu.memref_slice %arg6[%add3A_26, %dma_start3A_62] : memref<10240x128xf32, #tpu.memory_space<vmem_shared>> -> memref<80x128xf32, #tpu.memory_space<vmem_shared>>
      tpu.enqueue_dma source(%arg10 : memref<80x128xf32, #tpu.memory_space<vmem>>) target(%dma_start3A_63 : memref<80x128xf32, #tpu.memory_space<vmem_shared>>) target_semaphore(%run_scoped3A_59 : memref<!tpu.dma_semaphore, #tpu.memory_space<semaphore_mem>>)
      %dma_wait3A_64 = arith.constant 0 : i32
      %dma_wait3A_65 = tpu.memref_slice %arg6[%add3A_26, %dma_wait3A_64] : memref<10240x128xf32, #tpu.memory_space<vmem_shared>> -> memref<80x128xf32, #tpu.memory_space<vmem_shared>>
      %dma_wait3A_66 = arith.constant 0 : i32
      %dma_wait3A_67 = tpu.memref_slice %arg6[%add3A_26, %dma_wait3A_66] : memref<10240x128xf32, #tpu.memory_space<vmem_shared>> -> memref<80x128xf32, #tpu.memory_space<vmem_shared>>
      tpu.wait_dma2 semaphore(%run_scoped3A_59 : memref<!tpu.dma_semaphore, #tpu.memory_space<semaphore_mem>>) src(%arg10 : memref<80x128xf32, #tpu.memory_space<vmem>>) dst(%dma_wait3A_67 : memref<80x128xf32, #tpu.memory_space<vmem_shared>>)
      tpu.yield
    }) : () -> ()
    %mul3A_27 = arith.constant 640 : i32
    %mul3A_28 = arith.muli %arg1, %mul3A_27 : i32
    %add3A_29 = arith.constant 400 : i32
    %add3A_30 = arith.addi %mul3A_28, %add3A_29 : i32
    "tpu.region"() ({
      %run_scoped3A_59 = tpu.sem_alloc : memref<!tpu.dma_semaphore, #tpu.memory_space<semaphore_mem>>
      %dma_start3A_60 = arith.constant 0 : i32
      %dma_start3A_61 = tpu.memref_slice %arg6[%add3A_30, %dma_start3A_60] : memref<10240x128xf32, #tpu.memory_space<vmem_shared>> -> memref<80x128xf32, #tpu.memory_space<vmem_shared>>
      %dma_start3A_62 = arith.constant 0 : i32
      %dma_start3A_63 = tpu.memref_slice %arg6[%add3A_30, %dma_start3A_62] : memref<10240x128xf32, #tpu.memory_space<vmem_shared>> -> memref<80x128xf32, #tpu.memory_space<vmem_shared>>
      tpu.enqueue_dma source(%arg10 : memref<80x128xf32, #tpu.memory_space<vmem>>) target(%dma_start3A_63 : memref<80x128xf32, #tpu.memory_space<vmem_shared>>) target_semaphore(%run_scoped3A_59 : memref<!tpu.dma_semaphore, #tpu.memory_space<semaphore_mem>>)
      %dma_wait3A_64 = arith.constant 0 : i32
      %dma_wait3A_65 = tpu.memref_slice %arg6[%add3A_30, %dma_wait3A_64] : memref<10240x128xf32, #tpu.memory_space<vmem_shared>> -> memref<80x128xf32, #tpu.memory_space<vmem_shared>>
      %dma_wait3A_66 = arith.constant 0 : i32
      %dma_wait3A_67 = tpu.memref_slice %arg6[%add3A_30, %dma_wait3A_66] : memref<10240x128xf32, #tpu.memory_space<vmem_shared>> -> memref<80x128xf32, #tpu.memory_space<vmem_shared>>
      tpu.wait_dma2 semaphore(%run_scoped3A_59 : memref<!tpu.dma_semaphore, #tpu.memory_space<semaphore_mem>>) src(%arg10 : memref<80x128xf32, #tpu.memory_space<vmem>>) dst(%dma_wait3A_67 : memref<80x128xf32, #tpu.memory_space<vmem_shared>>)
      tpu.yield
    }) : () -> ()
    %mul3A_31 = arith.constant 640 : i32
    %mul3A_32 = arith.muli %arg1, %mul3A_31 : i32
    %add3A_33 = arith.constant 480 : i32
    %add3A_34 = arith.addi %mul3A_32, %add3A_33 : i32
    "tpu.region"() ({
      %run_scoped3A_59 = tpu.sem_alloc : memref<!tpu.dma_semaphore, #tpu.memory_space<semaphore_mem>>
      %dma_start3A_60 = arith.constant 0 : i32
      %dma_start3A_61 = tpu.memref_slice %arg6[%add3A_34, %dma_start3A_60] : memref<10240x128xf32, #tpu.memory_space<vmem_shared>> -> memref<80x128xf32, #tpu.memory_space<vmem_shared>>
      %dma_start3A_62 = arith.constant 0 : i32
      %dma_start3A_63 = tpu.memref_slice %arg6[%add3A_34, %dma_start3A_62] : memref<10240x128xf32, #tpu.memory_space<vmem_shared>> -> memref<80x128xf32, #tpu.memory_space<vmem_shared>>
      tpu.enqueue_dma source(%arg10 : memref<80x128xf32, #tpu.memory_space<vmem>>) target(%dma_start3A_63 : memref<80x128xf32, #tpu.memory_space<vmem_shared>>) target_semaphore(%run_scoped3A_59 : memref<!tpu.dma_semaphore, #tpu.memory_space<semaphore_mem>>)
      %dma_wait3A_64 = arith.constant 0 : i32
      %dma_wait3A_65 = tpu.memref_slice %arg6[%add3A_34, %dma_wait3A_64] : memref<10240x128xf32, #tpu.memory_space<vmem_shared>> -> memref<80x128xf32, #tpu.memory_space<vmem_shared>>
      %dma_wait3A_66 = arith.constant 0 : i32
      %dma_wait3A_67 = tpu.memref_slice %arg6[%add3A_34, %dma_wait3A_66] : memref<10240x128xf32, #tpu.memory_space<vmem_shared>> -> memref<80x128xf32, #tpu.memory_space<vmem_shared>>
      tpu.wait_dma2 semaphore(%run_scoped3A_59 : memref<!tpu.dma_semaphore, #tpu.memory_space<semaphore_mem>>) src(%arg10 : memref<80x128xf32, #tpu.memory_space<vmem>>) dst(%dma_wait3A_67 : memref<80x128xf32, #tpu.memory_space<vmem_shared>>)
      tpu.yield
    }) : () -> ()
    %mul3A_35 = arith.constant 640 : i32
    %mul3A_36 = arith.muli %arg1, %mul3A_35 : i32
    %add3A_37 = arith.constant 560 : i32
    %add3A_38 = arith.addi %mul3A_36, %add3A_37 : i32
    "tpu.region"() ({
      %run_scoped3A_59 = tpu.sem_alloc : memref<!tpu.dma_semaphore, #tpu.memory_space<semaphore_mem>>
      %dma_start3A_60 = arith.constant 0 : i32
      %dma_start3A_61 = tpu.memref_slice %arg6[%add3A_38, %dma_start3A_60] : memref<10240x128xf32, #tpu.memory_space<vmem_shared>> -> memref<80x128xf32, #tpu.memory_space<vmem_shared>>
      %dma_start3A_62 = arith.constant 0 : i32
      %dma_start3A_63 = tpu.memref_slice %arg6[%add3A_38, %dma_start3A_62] : memref<10240x128xf32, #tpu.memory_space<vmem_shared>> -> memref<80x128xf32, #tpu.memory_space<vmem_shared>>
      tpu.enqueue_dma source(%arg10 : memref<80x128xf32, #tpu.memory_space<vmem>>) target(%dma_start3A_63 : memref<80x128xf32, #tpu.memory_space<vmem_shared>>) target_semaphore(%run_scoped3A_59 : memref<!tpu.dma_semaphore, #tpu.memory_space<semaphore_mem>>)
      %dma_wait3A_64 = arith.constant 0 : i32
      %dma_wait3A_65 = tpu.memref_slice %arg6[%add3A_38, %dma_wait3A_64] : memref<10240x128xf32, #tpu.memory_space<vmem_shared>> -> memref<80x128xf32, #tpu.memory_space<vmem_shared>>
      %dma_wait3A_66 = arith.constant 0 : i32
      %dma_wait3A_67 = tpu.memref_slice %arg6[%add3A_38, %dma_wait3A_66] : memref<10240x128xf32, #tpu.memory_space<vmem_shared>> -> memref<80x128xf32, #tpu.memory_space<vmem_shared>>
      tpu.wait_dma2 semaphore(%run_scoped3A_59 : memref<!tpu.dma_semaphore, #tpu.memory_space<semaphore_mem>>) src(%arg10 : memref<80x128xf32, #tpu.memory_space<vmem>>) dst(%dma_wait3A_67 : memref<80x128xf32, #tpu.memory_space<vmem_shared>>)
      tpu.yield
    }) : () -> ()
    %barrier3A = arith.constant 0 : index
    tpu.barrier barrier_id(%barrier3A)
    %dma_start3A_39 = arith.constant 80 : i32
    %dma_start3A_40 = tpu.memref_slice %arg7[%dma_start3A_39] : memref<10000xi32, #tpu.memory_space<vmem>> -> memref<80xi32, #tpu.memory_space<vmem>>
    %dma_start3A_41 = arith.constant 0 : i32
    %dma_start3A_42 = arith.constant 0 : i32
    %dma_start3A_43 = tpu.memref_slice %arg2[%dma_start3A_41, %dma_start3A_42] : memref<10000x128xf32, #tpu.memory_space<hbm>> -> memref<10000x128xf32, #tpu.memory_space<hbm>>
    tpu.enqueue_indirect_dma source(%dma_start3A_43 : memref<10000x128xf32, #tpu.memory_space<hbm>>) target(%arg10 : memref<80x128xf32, #tpu.memory_space<vmem>>) offsets(%dma_start3A_40 : memref<80xi32, #tpu.memory_space<vmem>>) semaphore(%arg12 : memref<!tpu.dma_semaphore, #tpu.memory_space<semaphore_mem>>)
    %scan3A_44 = arith.constant 0 : i32
    %scan3A_45 = arith.constant 0 : i32
    %scan3A_46 = arith.constant 62 : i32
    %scan3A_47 = arith.addi %scan3A_45, %scan3A_46 : i32
    %scan3A_48 = arith.constant 1 : i32
    scf.for %scan3A_59 = %scan3A_45 to %scan3A_47 step %scan3A_48  : i32 {
      %mul3A_60 = arith.constant 2 : i32
      %mul3A_61 = arith.muli %mul3A_60, %scan3A_59 : i32
      %mul3A_62 = arith.constant 80 : i32
      %mul3A_63 = arith.muli %mul3A_61, %mul3A_62 : i32
      %dma_wait3A_64 = tpu.memref_slice %arg7[%mul3A_63] : memref<10000xi32, #tpu.memory_space<vmem>> -> memref<80xi32, #tpu.memory_space<vmem>>
      %dma_wait3A_65 = arith.constant 0 : i32
      %dma_wait3A_66 = arith.constant 0 : i32
      %dma_wait3A_67 = tpu.memref_slice %arg2[%dma_wait3A_65, %dma_wait3A_66] : memref<10000x128xf32, #tpu.memory_space<hbm>> -> memref<10000x128xf32, #tpu.memory_space<hbm>>
      tpu.wait_indirect_dma semaphore(%arg11 : memref<!tpu.dma_semaphore, #tpu.memory_space<semaphore_mem>>) src(%dma_wait3A_67 : memref<10000x128xf32, #tpu.memory_space<hbm>>) dst(%arg9 : memref<80x128xf32, #tpu.memory_space<vmem>>)
      "tpu.region"() ({
        %run_scoped3A_88 = tpu.sem_alloc : memref<!tpu.dma_semaphore, #tpu.memory_space<semaphore_mem>>
        %dma_start3A_89 = arith.constant 0 : i32
        %dma_start3A_90 = tpu.memref_slice %arg8[%mul3A_61, %dma_start3A_89] : memref<125x80xi32, #tpu.memory_space<vmem>> -> memref<1x80xi32, #tpu.memory_space<vmem>>
        %dma_start3A_91 = tpu.memref_squeeze %dma_start3A_90 : memref<1x80xi32, #tpu.memory_space<vmem>> -> memref<80xi32, #tpu.memory_space<vmem>>
        %dma_start3A_92 = arith.constant 0 : i32
        %dma_start3A_93 = arith.constant 0 : i32
        %dma_start3A_94 = tpu.memref_slice %arg6[%dma_start3A_92, %dma_start3A_93] : memref<10240x128xf32, #tpu.memory_space<vmem_shared>> -> memref<10240x128xf32, #tpu.memory_space<vmem_shared>>
        tpu.enqueue_indirect_dma source(%arg9 : memref<80x128xf32, #tpu.memory_space<vmem>>) target(%dma_start3A_94 : memref<10240x128xf32, #tpu.memory_space<vmem_shared>>) offsets(%dma_start3A_91 : memref<80xi32, #tpu.memory_space<vmem>>) semaphore(%run_scoped3A_88 : memref<!tpu.dma_semaphore, #tpu.memory_space<semaphore_mem>>) {add = true}
        %dma_wait3A_95 = arith.constant 0 : i32
        %dma_wait3A_96 = tpu.memref_slice %arg8[%mul3A_61, %dma_wait3A_95] : memref<125x80xi32, #tpu.memory_space<vmem>> -> memref<1x80xi32, #tpu.memory_space<vmem>>
        %dma_wait3A_97 = tpu.memref_squeeze %dma_wait3A_96 : memref<1x80xi32, #tpu.memory_space<vmem>> -> memref<80xi32, #tpu.memory_space<vmem>>
        %dma_wait3A_98 = arith.constant 0 : i32
        %dma_wait3A_99 = arith.constant 0 : i32
        %dma_wait3A_100 = tpu.memref_slice %arg6[%dma_wait3A_98, %dma_wait3A_99] : memref<10240x128xf32, #tpu.memory_space<vmem_shared>> -> memref<10240x128xf32, #tpu.memory_space<vmem_shared>>
        tpu.wait_indirect_dma semaphore(%run_scoped3A_88 : memref<!tpu.dma_semaphore, #tpu.memory_space<semaphore_mem>>) src(%arg9 : memref<80x128xf32, #tpu.memory_space<vmem>>) dst(%dma_wait3A_100 : memref<10240x128xf32, #tpu.memory_space<vmem_shared>>)
        tpu.yield
      }) : () -> ()
      %add3A_68 = arith.constant 2 : i32
      %add3A_69 = arith.addi %mul3A_61, %add3A_68 : i32
      %mul3A_70 = arith.constant 80 : i32
      %mul3A_71 = arith.muli %add3A_69, %mul3A_70 : i32
      %dma_start3A_72 = tpu.memref_slice %arg7[%mul3A_71] : memref<10000xi32, #tpu.memory_space<vmem>> -> memref<80xi32, #tpu.memory_space<vmem>>
      %dma_start3A_73 = arith.constant 0 : i32
      %dma_start3A_74 = arith.constant 0 : i32
      %dma_start3A_75 = tpu.memref_slice %arg2[%dma_start3A_73, %dma_start3A_74] : memref<10000x128xf32, #tpu.memory_space<hbm>> -> memref<10000x128xf32, #tpu.memory_space<hbm>>
      tpu.enqueue_indirect_dma source(%dma_start3A_75 : memref<10000x128xf32, #tpu.memory_space<hbm>>) target(%arg9 : memref<80x128xf32, #tpu.memory_space<vmem>>) offsets(%dma_start3A_72 : memref<80xi32, #tpu.memory_space<vmem>>) semaphore(%arg11 : memref<!tpu.dma_semaphore, #tpu.memory_space<semaphore_mem>>)
      %add3A_76 = arith.constant 1 : i32
      %add3A_77 = arith.addi %mul3A_61, %add3A_76 : i32
      %mul3A_78 = arith.constant 80 : i32
      %mul3A_79 = arith.muli %add3A_77, %mul3A_78 : i32
      %dma_wait3A_80 = tpu.memref_slice %arg7[%mul3A_79] : memref<10000xi32, #tpu.memory_space<vmem>> -> memref<80xi32, #tpu.memory_space<vmem>>
      %dma_wait3A_81 = arith.constant 0 : i32
      %dma_wait3A_82 = arith.constant 0 : i32
      %dma_wait3A_83 = tpu.memref_slice %arg2[%dma_wait3A_81, %dma_wait3A_82] : memref<10000x128xf32, #tpu.memory_space<hbm>> -> memref<10000x128xf32, #tpu.memory_space<hbm>>
      tpu.wait_indirect_dma semaphore(%arg12 : memref<!tpu.dma_semaphore, #tpu.memory_space<semaphore_mem>>) src(%dma_wait3A_83 : memref<10000x128xf32, #tpu.memory_space<hbm>>) dst(%arg10 : memref<80x128xf32, #tpu.memory_space<vmem>>)
      %add3A_84 = arith.constant 1 : i32
      %add3A_85 = arith.addi %mul3A_61, %add3A_84 : i32
      "tpu.region"() ({
        %run_scoped3A_88 = tpu.sem_alloc : memref<!tpu.dma_semaphore, #tpu.memory_space<semaphore_mem>>
        %dma_start3A_89 = arith.constant 0 : i32
        %dma_start3A_90 = tpu.memref_slice %arg8[%add3A_85, %dma_start3A_89] : memref<125x80xi32, #tpu.memory_space<vmem>> -> memref<1x80xi32, #tpu.memory_space<vmem>>
        %dma_start3A_91 = tpu.memref_squeeze %dma_start3A_90 : memref<1x80xi32, #tpu.memory_space<vmem>> -> memref<80xi32, #tpu.memory_space<vmem>>
        %dma_start3A_92 = arith.constant 0 : i32
        %dma_start3A_93 = arith.constant 0 : i32
        %dma_start3A_94 = tpu.memref_slice %arg6[%dma_start3A_92, %dma_start3A_93] : memref<10240x128xf32, #tpu.memory_space<vmem_shared>> -> memref<10240x128xf32, #tpu.memory_space<vmem_shared>>
        tpu.enqueue_indirect_dma source(%arg10 : memref<80x128xf32, #tpu.memory_space<vmem>>) target(%dma_start3A_94 : memref<10240x128xf32, #tpu.memory_space<vmem_shared>>) offsets(%dma_start3A_91 : memref<80xi32, #tpu.memory_space<vmem>>) semaphore(%run_scoped3A_88 : memref<!tpu.dma_semaphore, #tpu.memory_space<semaphore_mem>>) {add = true}
        %dma_wait3A_95 = arith.constant 0 : i32
        %dma_wait3A_96 = tpu.memref_slice %arg8[%add3A_85, %dma_wait3A_95] : memref<125x80xi32, #tpu.memory_space<vmem>> -> memref<1x80xi32, #tpu.memory_space<vmem>>
        %dma_wait3A_97 = tpu.memref_squeeze %dma_wait3A_96 : memref<1x80xi32, #tpu.memory_space<vmem>> -> memref<80xi32, #tpu.memory_space<vmem>>
        %dma_wait3A_98 = arith.constant 0 : i32
        %dma_wait3A_99 = arith.constant 0 : i32
        %dma_wait3A_100 = tpu.memref_slice %arg6[%dma_wait3A_98, %dma_wait3A_99] : memref<10240x128xf32, #tpu.memory_space<vmem_shared>> -> memref<10240x128xf32, #tpu.memory_space<vmem_shared>>
        tpu.wait_indirect_dma semaphore(%run_scoped3A_88 : memref<!tpu.dma_semaphore, #tpu.memory_space<semaphore_mem>>) src(%arg10 : memref<80x128xf32, #tpu.memory_space<vmem>>) dst(%dma_wait3A_100 : memref<10240x128xf32, #tpu.memory_space<vmem_shared>>)
        tpu.yield
      }) : () -> ()
      %lt3A = arith.constant 61 : i32
      %lt3A_86 = arith.cmpi slt, %scan3A_59, %lt3A : i32
      %convert_element_type3A = arith.extui %lt3A_86 : i1 to i32
      %cond3A = arith.constant 0 : i32
      %cond3A_87 = arith.cmpi ne, %convert_element_type3A, %cond3A : i32
      scf.if %cond3A_87 {
        %add3A_88 = arith.constant 3 : i32
        %add3A_89 = arith.addi %mul3A_61, %add3A_88 : i32
        %mul3A_90 = arith.constant 80 : i32
        %mul3A_91 = arith.muli %add3A_89, %mul3A_90 : i32
        %dma_start3A_92 = tpu.memref_slice %arg7[%mul3A_91] : memref<10000xi32, #tpu.memory_space<vmem>> -> memref<80xi32, #tpu.memory_space<vmem>>
        %dma_start3A_93 = arith.constant 0 : i32
        %dma_start3A_94 = arith.constant 0 : i32
        %dma_start3A_95 = tpu.memref_slice %arg2[%dma_start3A_93, %dma_start3A_94] : memref<10000x128xf32, #tpu.memory_space<hbm>> -> memref<10000x128xf32, #tpu.memory_space<hbm>>
        tpu.enqueue_indirect_dma source(%dma_start3A_95 : memref<10000x128xf32, #tpu.memory_space<hbm>>) target(%arg10 : memref<80x128xf32, #tpu.memory_space<vmem>>) offsets(%dma_start3A_92 : memref<80xi32, #tpu.memory_space<vmem>>) semaphore(%arg12 : memref<!tpu.dma_semaphore, #tpu.memory_space<semaphore_mem>>)
      } else {
      }
    }
    %scan3A_49 = arith.constant 62 : i32
    %dma_wait3A = arith.constant 9920 : i32
    %dma_wait3A_50 = tpu.memref_slice %arg7[%dma_wait3A] : memref<10000xi32, #tpu.memory_space<vmem>> -> memref<80xi32, #tpu.memory_space<vmem>>
    %dma_wait3A_51 = arith.constant 0 : i32
    %dma_wait3A_52 = arith.constant 0 : i32
    %dma_wait3A_53 = tpu.memref_slice %arg2[%dma_wait3A_51, %dma_wait3A_52] : memref<10000x128xf32, #tpu.memory_space<hbm>> -> memref<10000x128xf32, #tpu.memory_space<hbm>>
    tpu.wait_indirect_dma semaphore(%arg11 : memref<!tpu.dma_semaphore, #tpu.memory_space<semaphore_mem>>) src(%dma_wait3A_53 : memref<10000x128xf32, #tpu.memory_space<hbm>>) dst(%arg9 : memref<80x128xf32, #tpu.memory_space<vmem>>)
    %run_scoped3A = arith.constant 124 : i32
    "tpu.region"() ({
      %run_scoped3A_59 = tpu.sem_alloc : memref<!tpu.dma_semaphore, #tpu.memory_space<semaphore_mem>>
      %dma_start3A_60 = arith.constant 0 : i32
      %dma_start3A_61 = tpu.memref_slice %arg8[%run_scoped3A, %dma_start3A_60] : memref<125x80xi32, #tpu.memory_space<vmem>> -> memref<1x80xi32, #tpu.memory_space<vmem>>
      %dma_start3A_62 = tpu.memref_squeeze %dma_start3A_61 : memref<1x80xi32, #tpu.memory_space<vmem>> -> memref<80xi32, #tpu.memory_space<vmem>>
      %dma_start3A_63 = arith.constant 0 : i32
      %dma_start3A_64 = arith.constant 0 : i32
      %dma_start3A_65 = tpu.memref_slice %arg6[%dma_start3A_63, %dma_start3A_64] : memref<10240x128xf32, #tpu.memory_space<vmem_shared>> -> memref<10240x128xf32, #tpu.memory_space<vmem_shared>>
      tpu.enqueue_indirect_dma source(%arg9 : memref<80x128xf32, #tpu.memory_space<vmem>>) target(%dma_start3A_65 : memref<10240x128xf32, #tpu.memory_space<vmem_shared>>) offsets(%dma_start3A_62 : memref<80xi32, #tpu.memory_space<vmem>>) semaphore(%run_scoped3A_59 : memref<!tpu.dma_semaphore, #tpu.memory_space<semaphore_mem>>) {add = true}
      %dma_wait3A_66 = arith.constant 0 : i32
      %dma_wait3A_67 = tpu.memref_slice %arg8[%run_scoped3A, %dma_wait3A_66] : memref<125x80xi32, #tpu.memory_space<vmem>> -> memref<1x80xi32, #tpu.memory_space<vmem>>
      %dma_wait3A_68 = tpu.memref_squeeze %dma_wait3A_67 : memref<1x80xi32, #tpu.memory_space<vmem>> -> memref<80xi32, #tpu.memory_space<vmem>>
      %dma_wait3A_69 = arith.constant 0 : i32
      %dma_wait3A_70 = arith.constant 0 : i32
      %dma_wait3A_71 = tpu.memref_slice %arg6[%dma_wait3A_69, %dma_wait3A_70] : memref<10240x128xf32, #tpu.memory_space<vmem_shared>> -> memref<10240x128xf32, #tpu.memory_space<vmem_shared>>
      tpu.wait_indirect_dma semaphore(%run_scoped3A_59 : memref<!tpu.dma_semaphore, #tpu.memory_space<semaphore_mem>>) src(%arg9 : memref<80x128xf32, #tpu.memory_space<vmem>>) dst(%dma_wait3A_71 : memref<10240x128xf32, #tpu.memory_space<vmem_shared>>)
      tpu.yield
    }) : () -> ()
    %barrier3A_54 = arith.constant 0 : index
    tpu.barrier barrier_id(%barrier3A_54)
    %mul3A_55 = arith.constant 640 : i32
    %mul3A_56 = arith.muli %arg1, %mul3A_55 : i32
    %mul3A_57 = arith.constant 640 : i32
    %mul3A_58 = arith.muli %arg1, %mul3A_57 : i32
    "tpu.region"() ({
      %run_scoped3A_59 = tpu.sem_alloc : memref<!tpu.dma_semaphore, #tpu.memory_space<semaphore_mem>>
      %dma_start3A_60 = arith.constant 0 : i32
      %dma_start3A_61 = tpu.memref_slice %arg5[%arg0, %mul3A_58, %dma_start3A_60] : memref<2x10240x128xf32, #tpu.memory_space<hbm>> -> memref<1x640x128xf32, #tpu.memory_space<hbm>>
      %dma_start3A_62 = tpu.memref_squeeze %dma_start3A_61 : memref<1x640x128xf32, #tpu.memory_space<hbm>> -> memref<640x128xf32, #tpu.memory_space<hbm>>
      %dma_start3A_63 = arith.constant 0 : i32
      %dma_start3A_64 = tpu.memref_slice %arg6[%mul3A_56, %dma_start3A_63] : memref<10240x128xf32, #tpu.memory_space<vmem_shared>> -> memref<640x128xf32, #tpu.memory_space<vmem_shared>>
      tpu.enqueue_dma source(%dma_start3A_64 : memref<640x128xf32, #tpu.memory_space<vmem_shared>>) target(%dma_start3A_62 : memref<640x128xf32, #tpu.memory_space<hbm>>) target_semaphore(%run_scoped3A_59 : memref<!tpu.dma_semaphore, #tpu.memory_space<semaphore_mem>>)
      %dma_wait3A_65 = arith.constant 0 : i32
      %dma_wait3A_66 = tpu.memref_slice %arg5[%arg0, %mul3A_58, %dma_wait3A_65] : memref<2x10240x128xf32, #tpu.memory_space<hbm>> -> memref<1x640x128xf32, #tpu.memory_space<hbm>>
      %dma_wait3A_67 = tpu.memref_squeeze %dma_wait3A_66 : memref<1x640x128xf32, #tpu.memory_space<hbm>> -> memref<640x128xf32, #tpu.memory_space<hbm>>
      %dma_wait3A_68 = arith.constant 0 : i32
      %dma_wait3A_69 = tpu.memref_slice %arg6[%mul3A_56, %dma_wait3A_68] : memref<10240x128xf32, #tpu.memory_space<vmem_shared>> -> memref<640x128xf32, #tpu.memory_space<vmem_shared>>
      tpu.wait_dma2 semaphore(%run_scoped3A_59 : memref<!tpu.dma_semaphore, #tpu.memory_space<semaphore_mem>>) src(%dma_wait3A_69 : memref<640x128xf32, #tpu.memory_space<vmem_shared>>) dst(%dma_wait3A_67 : memref<640x128xf32, #tpu.memory_space<hbm>>)
      tpu.yield
    }) : () -> ()
    return
  }
}

#map = affine_map<(d0, d1) -> (0, 0)>
#map1 = affine_map<(d0, d1) -> (0, 0, 0)>
#map2 = affine_map<(d0, d1) -> (0, 0, 0, 0)>
module attributes {stable_mosaic.version = 14 : i64} {
  func.func @_scatter_body(%arg0: i32, %arg1: i32, %arg2: memref<10000x128xf32, #tpu.memory_space<hbm>>, %arg3: memref<2x16x10000xi32, #tpu.memory_space<hbm>>, %arg4: memref<2x16x125x80xi32, #tpu.memory_space<hbm>>, %arg5: memref<2x10240x128xf32, #tpu.memory_space<hbm>>, %arg6: memref<10240x128xf32, #tpu.memory_space<vmem_shared>>, %arg7: memref<10000xi32, #tpu.memory_space<vmem>>, %arg8: memref<125x80xi32, #tpu.memory_space<vmem>>, %arg9: memref<80x128xf32, #tpu.memory_space<vmem>>, %arg10: memref<80x128xf32, #tpu.memory_space<vmem>>, %arg11: memref<!tpu.dma_semaphore, #tpu.memory_space<semaphore_mem>>, %arg12: memref<!tpu.dma_semaphore, #tpu.memory_space<semaphore_mem>>) attributes {dimension_semantics = [#tpu.dimension_semantics<core_parallel>, #tpu.dimension_semantics<subcore_parallel>], iteration_bounds = array<i64: 2, 16>, scalar_prefetch = 0 : i64, scratch_operands = 7 : i64, tpu.core_type = #tpu.core_type<sc_vector_subcore>, window_params = [{transform_indices = #map}, {transform_indices = #map1}, {transform_indices = #map2}, {transform_indices = #map1}]} {
    "tpu.region"() ({
      %run_scoped3A_59 = tpu.sem_alloc : memref<!tpu.dma_semaphore, #tpu.memory_space<semaphore_mem>>
      %dma_start3A_60 = arith.constant 0 : i32
      %dma_start3A_61 = tpu.memref_slice %arg3[%arg0, %arg1, %dma_start3A_60] : memref<2x16x10000xi32, #tpu.memory_space<hbm>> -> memref<1x1x10000xi32, #tpu.memory_space<hbm>>
      %dma_start3A_62 = tpu.memref_squeeze %dma_start3A_61 : memref<1x1x10000xi32, #tpu.memory_space<hbm>> -> memref<10000xi32, #tpu.memory_space<hbm>>
      %dma_start3A_63 = arith.constant 0 : i32
      %dma_start3A_64 = tpu.memref_slice %arg3[%arg0, %arg1, %dma_start3A_63] : memref<2x16x10000xi32, #tpu.memory_space<hbm>> -> memref<1x1x10000xi32, #tpu.memory_space<hbm>>
      %dma_start3A_65 = tpu.memref_squeeze %dma_start3A_64 : memref<1x1x10000xi32, #tpu.memory_space<hbm>> -> memref<10000xi32, #tpu.memory_space<hbm>>
      tpu.enqueue_dma source(%dma_start3A_65 : memref<10000xi32, #tpu.memory_space<hbm>>) target(%arg7 : memref<10000xi32, #tpu.memory_space<vmem>>) target_semaphore(%run_scoped3A_59 : memref<!tpu.dma_semaphore, #tpu.memory_space<semaphore_mem>>)
      %dma_wait3A_66 = arith.constant 0 : i32
      %dma_wait3A_67 = tpu.memref_slice %arg3[%arg0, %arg1, %dma_wait3A_66] : memref<2x16x10000xi32, #tpu.memory_space<hbm>> -> memref<1x1x10000xi32, #tpu.memory_space<hbm>>
      %dma_wait3A_68 = tpu.memref_squeeze %dma_wait3A_67 : memref<1x1x10000xi32, #tpu.memory_space<hbm>> -> memref<10000xi32, #tpu.memory_space<hbm>>
      %dma_wait3A_69 = arith.constant 0 : i32
      %dma_wait3A_70 = tpu.memref_slice %arg3[%arg0, %arg1, %dma_wait3A_69] : memref<2x16x10000xi32, #tpu.memory_space<hbm>> -> memref<1x1x10000xi32, #tpu.memory_space<hbm>>
      %dma_wait3A_71 = tpu.memref_squeeze %dma_wait3A_70 : memref<1x1x10000xi32, #tpu.memory_space<hbm>> -> memref<10000xi32, #tpu.memory_space<hbm>>
      tpu.wait_dma2 semaphore(%run_scoped3A_59 : memref<!tpu.dma_semaphore, #tpu.memory_space<semaphore_mem>>) src(%dma_wait3A_71 : memref<10000xi32, #tpu.memory_space<hbm>>) dst(%arg7 : memref<10000xi32, #tpu.memory_space<vmem>>)
      tpu.yield
    }) : () -> ()
    "tpu.region"() ({
      %run_scoped3A_59 = tpu.sem_alloc : memref<!tpu.dma_semaphore, #tpu.memory_space<semaphore_mem>>
      %dma_start3A_60 = arith.constant 0 : i32
      %dma_start3A_61 = arith.constant 0 : i32
      %dma_start3A_62 = tpu.memref_slice %arg4[%arg0, %arg1, %dma_start3A_60, %dma_start3A_61] : memref<2x16x125x80xi32, #tpu.memory_space<hbm>> -> memref<1x1x125x80xi32, #tpu.memory_space<hbm>>
      %dma_start3A_63 = tpu.memref_squeeze %dma_start3A_62 : memref<1x1x125x80xi32, #tpu.memory_space<hbm>> -> memref<125x80xi32, #tpu.memory_space<hbm>>
      %dma_start3A_64 = arith.constant 0 : i32
      %dma_start3A_65 = arith.constant 0 : i32
      %dma_start3A_66 = tpu.memref_slice %arg4[%arg0, %arg1, %dma_start3A_64, %dma_start3A_65] : memref<2x16x125x80xi32, #tpu.memory_space<hbm>> -> memref<1x1x125x80xi32, #tpu.memory_space<hbm>>
      %dma_start3A_67 = tpu.memref_squeeze %dma_start3A_66 : memref<1x1x125x80xi32, #tpu.memory_space<hbm>> -> memref<125x80xi32, #tpu.memory_space<hbm>>
      tpu.enqueue_dma source(%dma_start3A_67 : memref<125x80xi32, #tpu.memory_space<hbm>>) target(%arg8 : memref<125x80xi32, #tpu.memory_space<vmem>>) target_semaphore(%run_scoped3A_59 : memref<!tpu.dma_semaphore, #tpu.memory_space<semaphore_mem>>)
      %dma_wait3A_68 = arith.constant 0 : i32
      %dma_wait3A_69 = arith.constant 0 : i32
      %dma_wait3A_70 = tpu.memref_slice %arg4[%arg0, %arg1, %dma_wait3A_68, %dma_wait3A_69] : memref<2x16x125x80xi32, #tpu.memory_space<hbm>> -> memref<1x1x125x80xi32, #tpu.memory_space<hbm>>
      %dma_wait3A_71 = tpu.memref_squeeze %dma_wait3A_70 : memref<1x1x125x80xi32, #tpu.memory_space<hbm>> -> memref<125x80xi32, #tpu.memory_space<hbm>>
      %dma_wait3A_72 = arith.constant 0 : i32
      %dma_wait3A_73 = arith.constant 0 : i32
      %dma_wait3A_74 = tpu.memref_slice %arg4[%arg0, %arg1, %dma_wait3A_72, %dma_wait3A_73] : memref<2x16x125x80xi32, #tpu.memory_space<hbm>> -> memref<1x1x125x80xi32, #tpu.memory_space<hbm>>
      %dma_wait3A_75 = tpu.memref_squeeze %dma_wait3A_74 : memref<1x1x125x80xi32, #tpu.memory_space<hbm>> -> memref<125x80xi32, #tpu.memory_space<hbm>>
      tpu.wait_dma2 semaphore(%run_scoped3A_59 : memref<!tpu.dma_semaphore, #tpu.memory_space<semaphore_mem>>) src(%dma_wait3A_75 : memref<125x80xi32, #tpu.memory_space<hbm>>) dst(%arg8 : memref<125x80xi32, #tpu.memory_space<vmem>>)
      tpu.yield
    }) : () -> ()
    %dma_start3A = arith.constant 0 : i32
    %dma_start3A_0 = tpu.memref_slice %arg7[%dma_start3A] : memref<10000xi32, #tpu.memory_space<vmem>> -> memref<80xi32, #tpu.memory_space<vmem>>
    %dma_start3A_1 = arith.constant 0 : i32
    %dma_start3A_2 = arith.constant 0 : i32
    %dma_start3A_3 = tpu.memref_slice %arg2[%dma_start3A_1, %dma_start3A_2] : memref<10000x128xf32, #tpu.memory_space<hbm>> -> memref<10000x128xf32, #tpu.memory_space<hbm>>
    tpu.enqueue_indirect_dma source(%dma_start3A_3 : memref<10000x128xf32, #tpu.memory_space<hbm>>) target(%arg9 : memref<80x128xf32, #tpu.memory_space<vmem>>) offsets(%dma_start3A_0 : memref<80xi32, #tpu.memory_space<vmem>>) semaphore(%arg11 : memref<!tpu.dma_semaphore, #tpu.memory_space<semaphore_mem>>)
    %scan3A = arith.constant 0 : i32
    %scan3A_4 = arith.constant 0 : i32
    %scan3A_5 = arith.constant 80 : i32
    %scan3A_6 = arith.addi %scan3A_4, %scan3A_5 : i32
    %scan3A_7 = arith.constant 1 : i32
    scf.for %scan3A_59 = %scan3A_4 to %scan3A_6 step %scan3A_7  : i32 {
      %broadcast_in_dim3A = arith.constant 0.000000e+00 : f32
      %broadcast_in_dim3A_60 = vector.broadcast %broadcast_in_dim3A : f32 to vector<16xf32>
      %swap3A = arith.index_cast %scan3A_59 : i32 to index
      %swap3A_61 = arith.constant 0 : index
      %swap3A_62 = tpu.vector_load %arg10[%swap3A, %swap3A_61] {strides = array<i32>} : memref<80x128xf32, #tpu.memory_space<vmem>>, vector<1x16xf32>,
      %swap3A_63 = vector.shape_cast %swap3A_62 : vector<1x16xf32> to vector<16xf32>
      %swap3A_64 = vector.shape_cast %broadcast_in_dim3A_60 : vector<16xf32> to vector<1x16xf32>
      tpu.vector_store %arg10[%swap3A, %swap3A_61], %swap3A_64 {strides = array<i32>} : memref<80x128xf32, #tpu.memory_space<vmem>>, vector<1x16xf32>,
      %broadcast_in_dim3A_65 = arith.constant 0.000000e+00 : f32
      %broadcast_in_dim3A_66 = vector.broadcast %broadcast_in_dim3A_65 : f32 to vector<16xf32>
      %swap3A_67 = arith.index_cast %scan3A_59 : i32 to index
      %swap3A_68 = arith.constant 16 : index
      %swap3A_69 = tpu.vector_load %arg10[%swap3A_67, %swap3A_68] {strides = array<i32>} : memref<80x128xf32, #tpu.memory_space<vmem>>, vector<1x16xf32>,
      %swap3A_70 = vector.shape_cast %swap3A_69 : vector<1x16xf32> to vector<16xf32>
      %swap3A_71 = vector.shape_cast %broadcast_in_dim3A_66 : vector<16xf32> to vector<1x16xf32>
      tpu.vector_store %arg10[%swap3A_67, %swap3A_68], %swap3A_71 {strides = array<i32>} : memref<80x128xf32, #tpu.memory_space<vmem>>, vector<1x16xf32>,
      %broadcast_in_dim3A_72 = arith.constant 0.000000e+00 : f32
      %broadcast_in_dim3A_73 = vector.broadcast %broadcast_in_dim3A_72 : f32 to vector<16xf32>
      %swap3A_74 = arith.index_cast %scan3A_59 : i32 to index
      %swap3A_75 = arith.constant 32 : index
      %swap3A_76 = tpu.vector_load %arg10[%swap3A_74, %swap3A_75] {strides = array<i32>} : memref<80x128xf32, #tpu.memory_space<vmem>>, vector<1x16xf32>,
      %swap3A_77 = vector.shape_cast %swap3A_76 : vector<1x16xf32> to vector<16xf32>
      %swap3A_78 = vector.shape_cast %broadcast_in_dim3A_73 : vector<16xf32> to vector<1x16xf32>
      tpu.vector_store %arg10[%swap3A_74, %swap3A_75], %swap3A_78 {strides = array<i32>} : memref<80x128xf32, #tpu.memory_space<vmem>>, vector<1x16xf32>,
      %broadcast_in_dim3A_79 = arith.constant 0.000000e+00 : f32
      %broadcast_in_dim3A_80 = vector.broadcast %broadcast_in_dim3A_79 : f32 to vector<16xf32>
      %swap3A_81 = arith.index_cast %scan3A_59 : i32 to index
      %swap3A_82 = arith.constant 48 : index
      %swap3A_83 = tpu.vector_load %arg10[%swap3A_81, %swap3A_82] {strides = array<i32>} : memref<80x128xf32, #tpu.memory_space<vmem>>, vector<1x16xf32>,
      %swap3A_84 = vector.shape_cast %swap3A_83 : vector<1x16xf32> to vector<16xf32>
      %swap3A_85 = vector.shape_cast %broadcast_in_dim3A_80 : vector<16xf32> to vector<1x16xf32>
      tpu.vector_store %arg10[%swap3A_81, %swap3A_82], %swap3A_85 {strides = array<i32>} : memref<80x128xf32, #tpu.memory_space<vmem>>, vector<1x16xf32>,
      %broadcast_in_dim3A_86 = arith.constant 0.000000e+00 : f32
      %broadcast_in_dim3A_87 = vector.broadcast %broadcast_in_dim3A_86 : f32 to vector<16xf32>
      %swap3A_88 = arith.index_cast %scan3A_59 : i32 to index
      %swap3A_89 = arith.constant 64 : index
      %swap3A_90 = tpu.vector_load %arg10[%swap3A_88, %swap3A_89] {strides = array<i32>} : memref<80x128xf32, #tpu.memory_space<vmem>>, vector<1x16xf32>,
      %swap3A_91 = vector.shape_cast %swap3A_90 : vector<1x16xf32> to vector<16xf32>
      %swap3A_92 = vector.shape_cast %broadcast_in_dim3A_87 : vector<16xf32> to vector<1x16xf32>
      tpu.vector_store %arg10[%swap3A_88, %swap3A_89], %swap3A_92 {strides = array<i32>} : memref<80x128xf32, #tpu.memory_space<vmem>>, vector<1x16xf32>,
      %broadcast_in_dim3A_93 = arith.constant 0.000000e+00 : f32
      %broadcast_in_dim3A_94 = vector.broadcast %broadcast_in_dim3A_93 : f32 to vector<16xf32>
      %swap3A_95 = arith.index_cast %scan3A_59 : i32 to index
      %swap3A_96 = arith.constant 80 : index
      %swap3A_97 = tpu.vector_load %arg10[%swap3A_95, %swap3A_96] {strides = array<i32>} : memref<80x128xf32, #tpu.memory_space<vmem>>, vector<1x16xf32>,
      %swap3A_98 = vector.shape_cast %swap3A_97 : vector<1x16xf32> to vector<16xf32>
      %swap3A_99 = vector.shape_cast %broadcast_in_dim3A_94 : vector<16xf32> to vector<1x16xf32>
      tpu.vector_store %arg10[%swap3A_95, %swap3A_96], %swap3A_99 {strides = array<i32>} : memref<80x128xf32, #tpu.memory_space<vmem>>, vector<1x16xf32>,
      %broadcast_in_dim3A_100 = arith.constant 0.000000e+00 : f32
      %broadcast_in_dim3A_101 = vector.broadcast %broadcast_in_dim3A_100 : f32 to vector<16xf32>
      %swap3A_102 = arith.index_cast %scan3A_59 : i32 to index
      %swap3A_103 = arith.constant 96 : index
      %swap3A_104 = tpu.vector_load %arg10[%swap3A_102, %swap3A_103] {strides = array<i32>} : memref<80x128xf32, #tpu.memory_space<vmem>>, vector<1x16xf32>,
      %swap3A_105 = vector.shape_cast %swap3A_104 : vector<1x16xf32> to vector<16xf32>
      %swap3A_106 = vector.shape_cast %broadcast_in_dim3A_101 : vector<16xf32> to vector<1x16xf32>
      tpu.vector_store %arg10[%swap3A_102, %swap3A_103], %swap3A_106 {strides = array<i32>} : memref<80x128xf32, #tpu.memory_space<vmem>>, vector<1x16xf32>,
      %broadcast_in_dim3A_107 = arith.constant 0.000000e+00 : f32
      %broadcast_in_dim3A_108 = vector.broadcast %broadcast_in_dim3A_107 : f32 to vector<16xf32>
      %swap3A_109 = arith.index_cast %scan3A_59 : i32 to index
      %swap3A_110 = arith.constant 112 : index
      %swap3A_111 = tpu.vector_load %arg10[%swap3A_109, %swap3A_110] {strides = array<i32>} : memref<80x128xf32, #tpu.memory_space<vmem>>, vector<1x16xf32>,
      %swap3A_112 = vector.shape_cast %swap3A_111 : vector<1x16xf32> to vector<16xf32>
      %swap3A_113 = vector.shape_cast %broadcast_in_dim3A_108 : vector<16xf32> to vector<1x16xf32>
      tpu.vector_store %arg10[%swap3A_109, %swap3A_110], %swap3A_113 {strides = array<i32>} : memref<80x128xf32, #tpu.memory_space<vmem>>, vector<1x16xf32>,
    }
    %scan3A_8 = arith.constant 80 : i32
    %mul3A = arith.constant 640 : i32
    %mul3A_9 = arith.muli %arg1, %mul3A : i32
    %add3A = arith.constant 0 : i32
    %add3A_10 = arith.addi %mul3A_9, %add3A : i32
    "tpu.region"() ({
      %run_scoped3A_59 = tpu.sem_alloc : memref<!tpu.dma_semaphore, #tpu.memory_space<semaphore_mem>>
      %dma_start3A_60 = arith.constant 0 : i32
      %dma_start3A_61 = tpu.memref_slice %arg6[%add3A_10, %dma_start3A_60] : memref<10240x128xf32, #tpu.memory_space<vmem_shared>> -> memref<80x128xf32, #tpu.memory_space<vmem_shared>>
      %dma_start3A_62 = arith.constant 0 : i32
      %dma_start3A_63 = tpu.memref_slice %arg6[%add3A_10, %dma_start3A_62] : memref<10240x128xf32, #tpu.memory_space<vmem_shared>> -> memref<80x128xf32, #tpu.memory_space<vmem_shared>>
      tpu.enqueue_dma source(%arg10 : memref<80x128xf32, #tpu.memory_space<vmem>>) target(%dma_start3A_63 : memref<80x128xf32, #tpu.memory_space<vmem_shared>>) target_semaphore(%run_scoped3A_59 : memref<!tpu.dma_semaphore, #tpu.memory_space<semaphore_mem>>)
      %dma_wait3A_64 = arith.constant 0 : i32
      %dma_wait3A_65 = tpu.memref_slice %arg6[%add3A_10, %dma_wait3A_64] : memref<10240x128xf32, #tpu.memory_space<vmem_shared>> -> memref<80x128xf32, #tpu.memory_space<vmem_shared>>
      %dma_wait3A_66 = arith.constant 0 : i32
      %dma_wait3A_67 = tpu.memref_slice %arg6[%add3A_10, %dma_wait3A_66] : memref<10240x128xf32, #tpu.memory_space<vmem_shared>> -> memref<80x128xf32, #tpu.memory_space<vmem_shared>>
      tpu.wait_dma2 semaphore(%run_scoped3A_59 : memref<!tpu.dma_semaphore, #tpu.memory_space<semaphore_mem>>) src(%arg10 : memref<80x128xf32, #tpu.memory_space<vmem>>) dst(%dma_wait3A_67 : memref<80x128xf32, #tpu.memory_space<vmem_shared>>)
      tpu.yield
    }) : () -> ()
    %mul3A_11 = arith.constant 640 : i32
    %mul3A_12 = arith.muli %arg1, %mul3A_11 : i32
    %add3A_13 = arith.constant 80 : i32
    %add3A_14 = arith.addi %mul3A_12, %add3A_13 : i32
    "tpu.region"() ({
      %run_scoped3A_59 = tpu.sem_alloc : memref<!tpu.dma_semaphore, #tpu.memory_space<semaphore_mem>>
      %dma_start3A_60 = arith.constant 0 : i32
      %dma_start3A_61 = tpu.memref_slice %arg6[%add3A_14, %dma_start3A_60] : memref<10240x128xf32, #tpu.memory_space<vmem_shared>> -> memref<80x128xf32, #tpu.memory_space<vmem_shared>>
      %dma_start3A_62 = arith.constant 0 : i32
      %dma_start3A_63 = tpu.memref_slice %arg6[%add3A_14, %dma_start3A_62] : memref<10240x128xf32, #tpu.memory_space<vmem_shared>> -> memref<80x128xf32, #tpu.memory_space<vmem_shared>>
      tpu.enqueue_dma source(%arg10 : memref<80x128xf32, #tpu.memory_space<vmem>>) target(%dma_start3A_63 : memref<80x128xf32, #tpu.memory_space<vmem_shared>>) target_semaphore(%run_scoped3A_59 : memref<!tpu.dma_semaphore, #tpu.memory_space<semaphore_mem>>)
      %dma_wait3A_64 = arith.constant 0 : i32
      %dma_wait3A_65 = tpu.memref_slice %arg6[%add3A_14, %dma_wait3A_64] : memref<10240x128xf32, #tpu.memory_space<vmem_shared>> -> memref<80x128xf32, #tpu.memory_space<vmem_shared>>
      %dma_wait3A_66 = arith.constant 0 : i32
      %dma_wait3A_67 = tpu.memref_slice %arg6[%add3A_14, %dma_wait3A_66] : memref<10240x128xf32, #tpu.memory_space<vmem_shared>> -> memref<80x128xf32, #tpu.memory_space<vmem_shared>>
      tpu.wait_dma2 semaphore(%run_scoped3A_59 : memref<!tpu.dma_semaphore, #tpu.memory_space<semaphore_mem>>) src(%arg10 : memref<80x128xf32, #tpu.memory_space<vmem>>) dst(%dma_wait3A_67 : memref<80x128xf32, #tpu.memory_space<vmem_shared>>)
      tpu.yield
    }) : () -> ()
    %mul3A_15 = arith.constant 640 : i32
    %mul3A_16 = arith.muli %arg1, %mul3A_15 : i32
    %add3A_17 = arith.constant 160 : i32
    %add3A_18 = arith.addi %mul3A_16, %add3A_17 : i32
    "tpu.region"() ({
      %run_scoped3A_59 = tpu.sem_alloc : memref<!tpu.dma_semaphore, #tpu.memory_space<semaphore_mem>>
      %dma_start3A_60 = arith.constant 0 : i32
      %dma_start3A_61 = tpu.memref_slice %arg6[%add3A_18, %dma_start3A_60] : memref<10240x128xf32, #tpu.memory_space<vmem_shared>> -> memref<80x128xf32, #tpu.memory_space<vmem_shared>>
      %dma_start3A_62 = arith.constant 0 : i32
      %dma_start3A_63 = tpu.memref_slice %arg6[%add3A_18, %dma_start3A_62] : memref<10240x128xf32, #tpu.memory_space<vmem_shared>> -> memref<80x128xf32, #tpu.memory_space<vmem_shared>>
      tpu.enqueue_dma source(%arg10 : memref<80x128xf32, #tpu.memory_space<vmem>>) target(%dma_start3A_63 : memref<80x128xf32, #tpu.memory_space<vmem_shared>>) target_semaphore(%run_scoped3A_59 : memref<!tpu.dma_semaphore, #tpu.memory_space<semaphore_mem>>)
      %dma_wait3A_64 = arith.constant 0 : i32
      %dma_wait3A_65 = tpu.memref_slice %arg6[%add3A_18, %dma_wait3A_64] : memref<10240x128xf32, #tpu.memory_space<vmem_shared>> -> memref<80x128xf32, #tpu.memory_space<vmem_shared>>
      %dma_wait3A_66 = arith.constant 0 : i32
      %dma_wait3A_67 = tpu.memref_slice %arg6[%add3A_18, %dma_wait3A_66] : memref<10240x128xf32, #tpu.memory_space<vmem_shared>> -> memref<80x128xf32, #tpu.memory_space<vmem_shared>>
      tpu.wait_dma2 semaphore(%run_scoped3A_59 : memref<!tpu.dma_semaphore, #tpu.memory_space<semaphore_mem>>) src(%arg10 : memref<80x128xf32, #tpu.memory_space<vmem>>) dst(%dma_wait3A_67 : memref<80x128xf32, #tpu.memory_space<vmem_shared>>)
      tpu.yield
    }) : () -> ()
    %mul3A_19 = arith.constant 640 : i32
    %mul3A_20 = arith.muli %arg1, %mul3A_19 : i32
    %add3A_21 = arith.constant 240 : i32
    %add3A_22 = arith.addi %mul3A_20, %add3A_21 : i32
    "tpu.region"() ({
      %run_scoped3A_59 = tpu.sem_alloc : memref<!tpu.dma_semaphore, #tpu.memory_space<semaphore_mem>>
      %dma_start3A_60 = arith.constant 0 : i32
      %dma_start3A_61 = tpu.memref_slice %arg6[%add3A_22, %dma_start3A_60] : memref<10240x128xf32, #tpu.memory_space<vmem_shared>> -> memref<80x128xf32, #tpu.memory_space<vmem_shared>>
      %dma_start3A_62 = arith.constant 0 : i32
      %dma_start3A_63 = tpu.memref_slice %arg6[%add3A_22, %dma_start3A_62] : memref<10240x128xf32, #tpu.memory_space<vmem_shared>> -> memref<80x128xf32, #tpu.memory_space<vmem_shared>>
      tpu.enqueue_dma source(%arg10 : memref<80x128xf32, #tpu.memory_space<vmem>>) target(%dma_start3A_63 : memref<80x128xf32, #tpu.memory_space<vmem_shared>>) target_semaphore(%run_scoped3A_59 : memref<!tpu.dma_semaphore, #tpu.memory_space<semaphore_mem>>)
      %dma_wait3A_64 = arith.constant 0 : i32
      %dma_wait3A_65 = tpu.memref_slice %arg6[%add3A_22, %dma_wait3A_64] : memref<10240x128xf32, #tpu.memory_space<vmem_shared>> -> memref<80x128xf32, #tpu.memory_space<vmem_shared>>
      %dma_wait3A_66 = arith.constant 0 : i32
      %dma_wait3A_67 = tpu.memref_slice %arg6[%add3A_22, %dma_wait3A_66] : memref<10240x128xf32, #tpu.memory_space<vmem_shared>> -> memref<80x128xf32, #tpu.memory_space<vmem_shared>>
      tpu.wait_dma2 semaphore(%run_scoped3A_59 : memref<!tpu.dma_semaphore, #tpu.memory_space<semaphore_mem>>) src(%arg10 : memref<80x128xf32, #tpu.memory_space<vmem>>) dst(%dma_wait3A_67 : memref<80x128xf32, #tpu.memory_space<vmem_shared>>)
      tpu.yield
    }) : () -> ()
    %mul3A_23 = arith.constant 640 : i32
    %mul3A_24 = arith.muli %arg1, %mul3A_23 : i32
    %add3A_25 = arith.constant 320 : i32
    %add3A_26 = arith.addi %mul3A_24, %add3A_25 : i32
    "tpu.region"() ({
      %run_scoped3A_59 = tpu.sem_alloc : memref<!tpu.dma_semaphore, #tpu.memory_space<semaphore_mem>>
      %dma_start3A_60 = arith.constant 0 : i32
      %dma_start3A_61 = tpu.memref_slice %arg6[%add3A_26, %dma_start3A_60] : memref<10240x128xf32, #tpu.memory_space<vmem_shared>> -> memref<80x128xf32, #tpu.memory_space<vmem_shared>>
      %dma_start3A_62 = arith.constant 0 : i32
      %dma_start3A_63 = tpu.memref_slice %arg6[%add3A_26, %dma_start3A_62] : memref<10240x128xf32, #tpu.memory_space<vmem_shared>> -> memref<80x128xf32, #tpu.memory_space<vmem_shared>>
      tpu.enqueue_dma source(%arg10 : memref<80x128xf32, #tpu.memory_space<vmem>>) target(%dma_start3A_63 : memref<80x128xf32, #tpu.memory_space<vmem_shared>>) target_semaphore(%run_scoped3A_59 : memref<!tpu.dma_semaphore, #tpu.memory_space<semaphore_mem>>)
      %dma_wait3A_64 = arith.constant 0 : i32
      %dma_wait3A_65 = tpu.memref_slice %arg6[%add3A_26, %dma_wait3A_64] : memref<10240x128xf32, #tpu.memory_space<vmem_shared>> -> memref<80x128xf32, #tpu.memory_space<vmem_shared>>
      %dma_wait3A_66 = arith.constant 0 : i32
      %dma_wait3A_67 = tpu.memref_slice %arg6[%add3A_26, %dma_wait3A_66] : memref<10240x128xf32, #tpu.memory_space<vmem_shared>> -> memref<80x128xf32, #tpu.memory_space<vmem_shared>>
      tpu.wait_dma2 semaphore(%run_scoped3A_59 : memref<!tpu.dma_semaphore, #tpu.memory_space<semaphore_mem>>) src(%arg10 : memref<80x128xf32, #tpu.memory_space<vmem>>) dst(%dma_wait3A_67 : memref<80x128xf32, #tpu.memory_space<vmem_shared>>)
      tpu.yield
    }) : () -> ()
    %mul3A_27 = arith.constant 640 : i32
    %mul3A_28 = arith.muli %arg1, %mul3A_27 : i32
    %add3A_29 = arith.constant 400 : i32
    %add3A_30 = arith.addi %mul3A_28, %add3A_29 : i32
    "tpu.region"() ({
      %run_scoped3A_59 = tpu.sem_alloc : memref<!tpu.dma_semaphore, #tpu.memory_space<semaphore_mem>>
      %dma_start3A_60 = arith.constant 0 : i32
      %dma_start3A_61 = tpu.memref_slice %arg6[%add3A_30, %dma_start3A_60] : memref<10240x128xf32, #tpu.memory_space<vmem_shared>> -> memref<80x128xf32, #tpu.memory_space<vmem_shared>>
      %dma_start3A_62 = arith.constant 0 : i32
      %dma_start3A_63 = tpu.memref_slice %arg6[%add3A_30, %dma_start3A_62] : memref<10240x128xf32, #tpu.memory_space<vmem_shared>> -> memref<80x128xf32, #tpu.memory_space<vmem_shared>>
      tpu.enqueue_dma source(%arg10 : memref<80x128xf32, #tpu.memory_space<vmem>>) target(%dma_start3A_63 : memref<80x128xf32, #tpu.memory_space<vmem_shared>>) target_semaphore(%run_scoped3A_59 : memref<!tpu.dma_semaphore, #tpu.memory_space<semaphore_mem>>)
      %dma_wait3A_64 = arith.constant 0 : i32
      %dma_wait3A_65 = tpu.memref_slice %arg6[%add3A_30, %dma_wait3A_64] : memref<10240x128xf32, #tpu.memory_space<vmem_shared>> -> memref<80x128xf32, #tpu.memory_space<vmem_shared>>
      %dma_wait3A_66 = arith.constant 0 : i32
      %dma_wait3A_67 = tpu.memref_slice %arg6[%add3A_30, %dma_wait3A_66] : memref<10240x128xf32, #tpu.memory_space<vmem_shared>> -> memref<80x128xf32, #tpu.memory_space<vmem_shared>>
      tpu.wait_dma2 semaphore(%run_scoped3A_59 : memref<!tpu.dma_semaphore, #tpu.memory_space<semaphore_mem>>) src(%arg10 : memref<80x128xf32, #tpu.memory_space<vmem>>) dst(%dma_wait3A_67 : memref<80x128xf32, #tpu.memory_space<vmem_shared>>)
      tpu.yield
    }) : () -> ()
    %mul3A_31 = arith.constant 640 : i32
    %mul3A_32 = arith.muli %arg1, %mul3A_31 : i32
    %add3A_33 = arith.constant 480 : i32
    %add3A_34 = arith.addi %mul3A_32, %add3A_33 : i32
    "tpu.region"() ({
      %run_scoped3A_59 = tpu.sem_alloc : memref<!tpu.dma_semaphore, #tpu.memory_space<semaphore_mem>>
      %dma_start3A_60 = arith.constant 0 : i32
      %dma_start3A_61 = tpu.memref_slice %arg6[%add3A_34, %dma_start3A_60] : memref<10240x128xf32, #tpu.memory_space<vmem_shared>> -> memref<80x128xf32, #tpu.memory_space<vmem_shared>>
      %dma_start3A_62 = arith.constant 0 : i32
      %dma_start3A_63 = tpu.memref_slice %arg6[%add3A_34, %dma_start3A_62] : memref<10240x128xf32, #tpu.memory_space<vmem_shared>> -> memref<80x128xf32, #tpu.memory_space<vmem_shared>>
      tpu.enqueue_dma source(%arg10 : memref<80x128xf32, #tpu.memory_space<vmem>>) target(%dma_start3A_63 : memref<80x128xf32, #tpu.memory_space<vmem_shared>>) target_semaphore(%run_scoped3A_59 : memref<!tpu.dma_semaphore, #tpu.memory_space<semaphore_mem>>)
      %dma_wait3A_64 = arith.constant 0 : i32
      %dma_wait3A_65 = tpu.memref_slice %arg6[%add3A_34, %dma_wait3A_64] : memref<10240x128xf32, #tpu.memory_space<vmem_shared>> -> memref<80x128xf32, #tpu.memory_space<vmem_shared>>
      %dma_wait3A_66 = arith.constant 0 : i32
      %dma_wait3A_67 = tpu.memref_slice %arg6[%add3A_34, %dma_wait3A_66] : memref<10240x128xf32, #tpu.memory_space<vmem_shared>> -> memref<80x128xf32, #tpu.memory_space<vmem_shared>>
      tpu.wait_dma2 semaphore(%run_scoped3A_59 : memref<!tpu.dma_semaphore, #tpu.memory_space<semaphore_mem>>) src(%arg10 : memref<80x128xf32, #tpu.memory_space<vmem>>) dst(%dma_wait3A_67 : memref<80x128xf32, #tpu.memory_space<vmem_shared>>)
      tpu.yield
    }) : () -> ()
    %mul3A_35 = arith.constant 640 : i32
    %mul3A_36 = arith.muli %arg1, %mul3A_35 : i32
    %add3A_37 = arith.constant 560 : i32
    %add3A_38 = arith.addi %mul3A_36, %add3A_37 : i32
    "tpu.region"() ({
      %run_scoped3A_59 = tpu.sem_alloc : memref<!tpu.dma_semaphore, #tpu.memory_space<semaphore_mem>>
      %dma_start3A_60 = arith.constant 0 : i32
      %dma_start3A_61 = tpu.memref_slice %arg6[%add3A_38, %dma_start3A_60] : memref<10240x128xf32, #tpu.memory_space<vmem_shared>> -> memref<80x128xf32, #tpu.memory_space<vmem_shared>>
      %dma_start3A_62 = arith.constant 0 : i32
      %dma_start3A_63 = tpu.memref_slice %arg6[%add3A_38, %dma_start3A_62] : memref<10240x128xf32, #tpu.memory_space<vmem_shared>> -> memref<80x128xf32, #tpu.memory_space<vmem_shared>>
      tpu.enqueue_dma source(%arg10 : memref<80x128xf32, #tpu.memory_space<vmem>>) target(%dma_start3A_63 : memref<80x128xf32, #tpu.memory_space<vmem_shared>>) target_semaphore(%run_scoped3A_59 : memref<!tpu.dma_semaphore, #tpu.memory_space<semaphore_mem>>)
      %dma_wait3A_64 = arith.constant 0 : i32
      %dma_wait3A_65 = tpu.memref_slice %arg6[%add3A_38, %dma_wait3A_64] : memref<10240x128xf32, #tpu.memory_space<vmem_shared>> -> memref<80x128xf32, #tpu.memory_space<vmem_shared>>
      %dma_wait3A_66 = arith.constant 0 : i32
      %dma_wait3A_67 = tpu.memref_slice %arg6[%add3A_38, %dma_wait3A_66] : memref<10240x128xf32, #tpu.memory_space<vmem_shared>> -> memref<80x128xf32, #tpu.memory_space<vmem_shared>>
      tpu.wait_dma2 semaphore(%run_scoped3A_59 : memref<!tpu.dma_semaphore, #tpu.memory_space<semaphore_mem>>) src(%arg10 : memref<80x128xf32, #tpu.memory_space<vmem>>) dst(%dma_wait3A_67 : memref<80x128xf32, #tpu.memory_space<vmem_shared>>)
      tpu.yield
    }) : () -> ()
    %barrier3A = arith.constant 0 : index
    tpu.barrier barrier_id(%barrier3A)
    %dma_start3A_39 = arith.constant 80 : i32
    %dma_start3A_40 = tpu.memref_slice %arg7[%dma_start3A_39] : memref<10000xi32, #tpu.memory_space<vmem>> -> memref<80xi32, #tpu.memory_space<vmem>>
    %dma_start3A_41 = arith.constant 0 : i32
    %dma_start3A_42 = arith.constant 0 : i32
    %dma_start3A_43 = tpu.memref_slice %arg2[%dma_start3A_41, %dma_start3A_42] : memref<10000x128xf32, #tpu.memory_space<hbm>> -> memref<10000x128xf32, #tpu.memory_space<hbm>>
    tpu.enqueue_indirect_dma source(%dma_start3A_43 : memref<10000x128xf32, #tpu.memory_space<hbm>>) target(%arg10 : memref<80x128xf32, #tpu.memory_space<vmem>>) offsets(%dma_start3A_40 : memref<80xi32, #tpu.memory_space<vmem>>) semaphore(%arg12 : memref<!tpu.dma_semaphore, #tpu.memory_space<semaphore_mem>>)
    %scan3A_44 = arith.constant 0 : i32
    %scan3A_45 = arith.constant 0 : i32
    %scan3A_46 = arith.constant 62 : i32
    %scan3A_47 = arith.addi %scan3A_45, %scan3A_46 : i32
    %scan3A_48 = arith.constant 1 : i32
    scf.for %scan3A_59 = %scan3A_45 to %scan3A_47 step %scan3A_48  : i32 {
      %mul3A_60 = arith.constant 2 : i32
      %mul3A_61 = arith.muli %mul3A_60, %scan3A_59 : i32
      %mul3A_62 = arith.constant 80 : i32
      %mul3A_63 = arith.muli %mul3A_61, %mul3A_62 : i32
      %dma_wait3A_64 = tpu.memref_slice %arg7[%mul3A_63] : memref<10000xi32, #tpu.memory_space<vmem>> -> memref<80xi32, #tpu.memory_space<vmem>>
      %dma_wait3A_65 = arith.constant 0 : i32
      %dma_wait3A_66 = arith.constant 0 : i32
      %dma_wait3A_67 = tpu.memref_slice %arg2[%dma_wait3A_65, %dma_wait3A_66] : memref<10000x128xf32, #tpu.memory_space<hbm>> -> memref<10000x128xf32, #tpu.memory_space<hbm>>
      tpu.wait_indirect_dma semaphore(%arg11 : memref<!tpu.dma_semaphore, #tpu.memory_space<semaphore_mem>>) src(%dma_wait3A_67 : memref<10000x128xf32, #tpu.memory_space<hbm>>) dst(%arg9 : memref<80x128xf32, #tpu.memory_space<vmem>>)
      "tpu.region"() ({
        %run_scoped3A_88 = tpu.sem_alloc : memref<!tpu.dma_semaphore, #tpu.memory_space<semaphore_mem>>
        %dma_start3A_89 = arith.constant 0 : i32
        %dma_start3A_90 = tpu.memref_slice %arg8[%mul3A_61, %dma_start3A_89] : memref<125x80xi32, #tpu.memory_space<vmem>> -> memref<1x80xi32, #tpu.memory_space<vmem>>
        %dma_start3A_91 = tpu.memref_squeeze %dma_start3A_90 : memref<1x80xi32, #tpu.memory_space<vmem>> -> memref<80xi32, #tpu.memory_space<vmem>>
        %dma_start3A_92 = arith.constant 0 : i32
        %dma_start3A_93 = arith.constant 0 : i32
        %dma_start3A_94 = tpu.memref_slice %arg6[%dma_start3A_92, %dma_start3A_93] : memref<10240x128xf32, #tpu.memory_space<vmem_shared>> -> memref<10240x128xf32, #tpu.memory_space<vmem_shared>>
        tpu.enqueue_indirect_dma source(%arg9 : memref<80x128xf32, #tpu.memory_space<vmem>>) target(%dma_start3A_94 : memref<10240x128xf32, #tpu.memory_space<vmem_shared>>) offsets(%dma_start3A_91 : memref<80xi32, #tpu.memory_space<vmem>>) semaphore(%run_scoped3A_88 : memref<!tpu.dma_semaphore, #tpu.memory_space<semaphore_mem>>) {add = true}
        %dma_wait3A_95 = arith.constant 0 : i32
        %dma_wait3A_96 = tpu.memref_slice %arg8[%mul3A_61, %dma_wait3A_95] : memref<125x80xi32, #tpu.memory_space<vmem>> -> memref<1x80xi32, #tpu.memory_space<vmem>>
        %dma_wait3A_97 = tpu.memref_squeeze %dma_wait3A_96 : memref<1x80xi32, #tpu.memory_space<vmem>> -> memref<80xi32, #tpu.memory_space<vmem>>
        %dma_wait3A_98 = arith.constant 0 : i32
        %dma_wait3A_99 = arith.constant 0 : i32
        %dma_wait3A_100 = tpu.memref_slice %arg6[%dma_wait3A_98, %dma_wait3A_99] : memref<10240x128xf32, #tpu.memory_space<vmem_shared>> -> memref<10240x128xf32, #tpu.memory_space<vmem_shared>>
        tpu.wait_indirect_dma semaphore(%run_scoped3A_88 : memref<!tpu.dma_semaphore, #tpu.memory_space<semaphore_mem>>) src(%arg9 : memref<80x128xf32, #tpu.memory_space<vmem>>) dst(%dma_wait3A_100 : memref<10240x128xf32, #tpu.memory_space<vmem_shared>>)
        tpu.yield
      }) : () -> ()
      %add3A_68 = arith.constant 2 : i32
      %add3A_69 = arith.addi %mul3A_61, %add3A_68 : i32
      %mul3A_70 = arith.constant 80 : i32
      %mul3A_71 = arith.muli %add3A_69, %mul3A_70 : i32
      %dma_start3A_72 = tpu.memref_slice %arg7[%mul3A_71] : memref<10000xi32, #tpu.memory_space<vmem>> -> memref<80xi32, #tpu.memory_space<vmem>>
      %dma_start3A_73 = arith.constant 0 : i32
      %dma_start3A_74 = arith.constant 0 : i32
      %dma_start3A_75 = tpu.memref_slice %arg2[%dma_start3A_73, %dma_start3A_74] : memref<10000x128xf32, #tpu.memory_space<hbm>> -> memref<10000x128xf32, #tpu.memory_space<hbm>>
      tpu.enqueue_indirect_dma source(%dma_start3A_75 : memref<10000x128xf32, #tpu.memory_space<hbm>>) target(%arg9 : memref<80x128xf32, #tpu.memory_space<vmem>>) offsets(%dma_start3A_72 : memref<80xi32, #tpu.memory_space<vmem>>) semaphore(%arg11 : memref<!tpu.dma_semaphore, #tpu.memory_space<semaphore_mem>>)
      %add3A_76 = arith.constant 1 : i32
      %add3A_77 = arith.addi %mul3A_61, %add3A_76 : i32
      %mul3A_78 = arith.constant 80 : i32
      %mul3A_79 = arith.muli %add3A_77, %mul3A_78 : i32
      %dma_wait3A_80 = tpu.memref_slice %arg7[%mul3A_79] : memref<10000xi32, #tpu.memory_space<vmem>> -> memref<80xi32, #tpu.memory_space<vmem>>
      %dma_wait3A_81 = arith.constant 0 : i32
      %dma_wait3A_82 = arith.constant 0 : i32
      %dma_wait3A_83 = tpu.memref_slice %arg2[%dma_wait3A_81, %dma_wait3A_82] : memref<10000x128xf32, #tpu.memory_space<hbm>> -> memref<10000x128xf32, #tpu.memory_space<hbm>>
      tpu.wait_indirect_dma semaphore(%arg12 : memref<!tpu.dma_semaphore, #tpu.memory_space<semaphore_mem>>) src(%dma_wait3A_83 : memref<10000x128xf32, #tpu.memory_space<hbm>>) dst(%arg10 : memref<80x128xf32, #tpu.memory_space<vmem>>)
      %add3A_84 = arith.constant 1 : i32
      %add3A_85 = arith.addi %mul3A_61, %add3A_84 : i32
      "tpu.region"() ({
        %run_scoped3A_88 = tpu.sem_alloc : memref<!tpu.dma_semaphore, #tpu.memory_space<semaphore_mem>>
        %dma_start3A_89 = arith.constant 0 : i32
        %dma_start3A_90 = tpu.memref_slice %arg8[%add3A_85, %dma_start3A_89] : memref<125x80xi32, #tpu.memory_space<vmem>> -> memref<1x80xi32, #tpu.memory_space<vmem>>
        %dma_start3A_91 = tpu.memref_squeeze %dma_start3A_90 : memref<1x80xi32, #tpu.memory_space<vmem>> -> memref<80xi32, #tpu.memory_space<vmem>>
        %dma_start3A_92 = arith.constant 0 : i32
        %dma_start3A_93 = arith.constant 0 : i32
        %dma_start3A_94 = tpu.memref_slice %arg6[%dma_start3A_92, %dma_start3A_93] : memref<10240x128xf32, #tpu.memory_space<vmem_shared>> -> memref<10240x128xf32, #tpu.memory_space<vmem_shared>>
        tpu.enqueue_indirect_dma source(%arg10 : memref<80x128xf32, #tpu.memory_space<vmem>>) target(%dma_start3A_94 : memref<10240x128xf32, #tpu.memory_space<vmem_shared>>) offsets(%dma_start3A_91 : memref<80xi32, #tpu.memory_space<vmem>>) semaphore(%run_scoped3A_88 : memref<!tpu.dma_semaphore, #tpu.memory_space<semaphore_mem>>) {add = true}
        %dma_wait3A_95 = arith.constant 0 : i32
        %dma_wait3A_96 = tpu.memref_slice %arg8[%add3A_85, %dma_wait3A_95] : memref<125x80xi32, #tpu.memory_space<vmem>> -> memref<1x80xi32, #tpu.memory_space<vmem>>
        %dma_wait3A_97 = tpu.memref_squeeze %dma_wait3A_96 : memref<1x80xi32, #tpu.memory_space<vmem>> -> memref<80xi32, #tpu.memory_space<vmem>>
        %dma_wait3A_98 = arith.constant 0 : i32
        %dma_wait3A_99 = arith.constant 0 : i32
        %dma_wait3A_100 = tpu.memref_slice %arg6[%dma_wait3A_98, %dma_wait3A_99] : memref<10240x128xf32, #tpu.memory_space<vmem_shared>> -> memref<10240x128xf32, #tpu.memory_space<vmem_shared>>
        tpu.wait_indirect_dma semaphore(%run_scoped3A_88 : memref<!tpu.dma_semaphore, #tpu.memory_space<semaphore_mem>>) src(%arg10 : memref<80x128xf32, #tpu.memory_space<vmem>>) dst(%dma_wait3A_100 : memref<10240x128xf32, #tpu.memory_space<vmem_shared>>)
        tpu.yield
      }) : () -> ()
      %lt3A = arith.constant 61 : i32
      %lt3A_86 = arith.cmpi slt, %scan3A_59, %lt3A : i32
      %convert_element_type3A = arith.extui %lt3A_86 : i1 to i32
      %cond3A = arith.constant 0 : i32
      %cond3A_87 = arith.cmpi ne, %convert_element_type3A, %cond3A : i32
      scf.if %cond3A_87 {
        %add3A_88 = arith.constant 3 : i32
        %add3A_89 = arith.addi %mul3A_61, %add3A_88 : i32
        %mul3A_90 = arith.constant 80 : i32
        %mul3A_91 = arith.muli %add3A_89, %mul3A_90 : i32
        %dma_start3A_92 = tpu.memref_slice %arg7[%mul3A_91] : memref<10000xi32, #tpu.memory_space<vmem>> -> memref<80xi32, #tpu.memory_space<vmem>>
        %dma_start3A_93 = arith.constant 0 : i32
        %dma_start3A_94 = arith.constant 0 : i32
        %dma_start3A_95 = tpu.memref_slice %arg2[%dma_start3A_93, %dma_start3A_94] : memref<10000x128xf32, #tpu.memory_space<hbm>> -> memref<10000x128xf32, #tpu.memory_space<hbm>>
        tpu.enqueue_indirect_dma source(%dma_start3A_95 : memref<10000x128xf32, #tpu.memory_space<hbm>>) target(%arg10 : memref<80x128xf32, #tpu.memory_space<vmem>>) offsets(%dma_start3A_92 : memref<80xi32, #tpu.memory_space<vmem>>) semaphore(%arg12 : memref<!tpu.dma_semaphore, #tpu.memory_space<semaphore_mem>>)
      } else {
      }
    }
    %scan3A_49 = arith.constant 62 : i32
    %dma_wait3A = arith.constant 9920 : i32
    %dma_wait3A_50 = tpu.memref_slice %arg7[%dma_wait3A] : memref<10000xi32, #tpu.memory_space<vmem>> -> memref<80xi32, #tpu.memory_space<vmem>>
    %dma_wait3A_51 = arith.constant 0 : i32
    %dma_wait3A_52 = arith.constant 0 : i32
    %dma_wait3A_53 = tpu.memref_slice %arg2[%dma_wait3A_51, %dma_wait3A_52] : memref<10000x128xf32, #tpu.memory_space<hbm>> -> memref<10000x128xf32, #tpu.memory_space<hbm>>
    tpu.wait_indirect_dma semaphore(%arg11 : memref<!tpu.dma_semaphore, #tpu.memory_space<semaphore_mem>>) src(%dma_wait3A_53 : memref<10000x128xf32, #tpu.memory_space<hbm>>) dst(%arg9 : memref<80x128xf32, #tpu.memory_space<vmem>>)
    %run_scoped3A = arith.constant 124 : i32
    "tpu.region"() ({
      %run_scoped3A_59 = tpu.sem_alloc : memref<!tpu.dma_semaphore, #tpu.memory_space<semaphore_mem>>
      %dma_start3A_60 = arith.constant 0 : i32
      %dma_start3A_61 = tpu.memref_slice %arg8[%run_scoped3A, %dma_start3A_60] : memref<125x80xi32, #tpu.memory_space<vmem>> -> memref<1x80xi32, #tpu.memory_space<vmem>>
      %dma_start3A_62 = tpu.memref_squeeze %dma_start3A_61 : memref<1x80xi32, #tpu.memory_space<vmem>> -> memref<80xi32, #tpu.memory_space<vmem>>
      %dma_start3A_63 = arith.constant 0 : i32
      %dma_start3A_64 = arith.constant 0 : i32
      %dma_start3A_65 = tpu.memref_slice %arg6[%dma_start3A_63, %dma_start3A_64] : memref<10240x128xf32, #tpu.memory_space<vmem_shared>> -> memref<10240x128xf32, #tpu.memory_space<vmem_shared>>
      tpu.enqueue_indirect_dma source(%arg9 : memref<80x128xf32, #tpu.memory_space<vmem>>) target(%dma_start3A_65 : memref<10240x128xf32, #tpu.memory_space<vmem_shared>>) offsets(%dma_start3A_62 : memref<80xi32, #tpu.memory_space<vmem>>) semaphore(%run_scoped3A_59 : memref<!tpu.dma_semaphore, #tpu.memory_space<semaphore_mem>>) {add = true}
      %dma_wait3A_66 = arith.constant 0 : i32
      %dma_wait3A_67 = tpu.memref_slice %arg8[%run_scoped3A, %dma_wait3A_66] : memref<125x80xi32, #tpu.memory_space<vmem>> -> memref<1x80xi32, #tpu.memory_space<vmem>>
      %dma_wait3A_68 = tpu.memref_squeeze %dma_wait3A_67 : memref<1x80xi32, #tpu.memory_space<vmem>> -> memref<80xi32, #tpu.memory_space<vmem>>
      %dma_wait3A_69 = arith.constant 0 : i32
      %dma_wait3A_70 = arith.constant 0 : i32
      %dma_wait3A_71 = tpu.memref_slice %arg6[%dma_wait3A_69, %dma_wait3A_70] : memref<10240x128xf32, #tpu.memory_space<vmem_shared>> -> memref<10240x128xf32, #tpu.memory_space<vmem_shared>>
      tpu.wait_indirect_dma semaphore(%run_scoped3A_59 : memref<!tpu.dma_semaphore, #tpu.memory_space<semaphore_mem>>) src(%arg9 : memref<80x128xf32, #tpu.memory_space<vmem>>) dst(%dma_wait3A_71 : memref<10240x128xf32, #tpu.memory_space<vmem_shared>>)
      tpu.yield
    }) : () -> ()
    %barrier3A_54 = arith.constant 0 : index
    tpu.barrier barrier_id(%barrier3A_54)
    %mul3A_55 = arith.constant 640 : i32
    %mul3A_56 = arith.muli %arg1, %mul3A_55 : i32
    %mul3A_57 = arith.constant 640 : i32
    %mul3A_58 = arith.muli %arg1, %mul3A_57 : i32
    "tpu.region"() ({
      %run_scoped3A_59 = tpu.sem_alloc : memref<!tpu.dma_semaphore, #tpu.memory_space<semaphore_mem>>
      %dma_start3A_60 = arith.constant 0 : i32
      %dma_start3A_61 = tpu.memref_slice %arg5[%arg0, %mul3A_58, %dma_start3A_60] : memref<2x10240x128xf32, #tpu.memory_space<hbm>> -> memref<1x640x128xf32, #tpu.memory_space<hbm>>
      %dma_start3A_62 = tpu.memref_squeeze %dma_start3A_61 : memref<1x640x128xf32, #tpu.memory_space<hbm>> -> memref<640x128xf32, #tpu.memory_space<hbm>>
      %dma_start3A_63 = arith.constant 0 : i32
      %dma_start3A_64 = tpu.memref_slice %arg6[%mul3A_56, %dma_start3A_63] : memref<10240x128xf32, #tpu.memory_space<vmem_shared>> -> memref<640x128xf32, #tpu.memory_space<vmem_shared>>
      tpu.enqueue_dma source(%dma_start3A_64 : memref<640x128xf32, #tpu.memory_space<vmem_shared>>) target(%dma_start3A_62 : memref<640x128xf32, #tpu.memory_space<hbm>>) target_semaphore(%run_scoped3A_59 : memref<!tpu.dma_semaphore, #tpu.memory_space<semaphore_mem>>)
      %dma_wait3A_65 = arith.constant 0 : i32
      %dma_wait3A_66 = tpu.memref_slice %arg5[%arg0, %mul3A_58, %dma_wait3A_65] : memref<2x10240x128xf32, #tpu.memory_space<hbm>> -> memref<1x640x128xf32, #tpu.memory_space<hbm>>
      %dma_wait3A_67 = tpu.memref_squeeze %dma_wait3A_66 : memref<1x640x128xf32, #tpu.memory_space<hbm>> -> memref<640x128xf32, #tpu.memory_space<hbm>>
      %dma_wait3A_68 = arith.constant 0 : i32
      %dma_wait3A_69 = tpu.memref_slice %arg6[%mul3A_56, %dma_wait3A_68] : memref<10240x128xf32, #tpu.memory_space<vmem_shared>> -> memref<640x128xf32, #tpu.memory_space<vmem_shared>>
      tpu.wait_dma2 semaphore(%run_scoped3A_59 : memref<!tpu.dma_semaphore, #tpu.memory_space<semaphore_mem>>) src(%dma_wait3A_69 : memref<640x128xf32, #tpu.memory_space<vmem_shared>>) dst(%dma_wait3A_67 : memref<640x128xf32, #tpu.memory_space<hbm>>)
      tpu.yield
    }) : () -> ()
    return
  }
}

module attributes {stable_mosaic.version = 14 : i64} {
  func.func @_xw_body(%arg0: i32, %arg1: memref<2000x128xf32, #tpu.memory_space<vmem>>, %arg2: memref<128x128xf32, #tpu.memory_space<vmem>>, %arg3: memref<2000x128xf32, #tpu.memory_space<vmem>>) attributes {dimension_semantics = [#tpu.dimension_semantics<arbitrary>], iteration_bounds = array<i64: 5>, scalar_prefetch = 0 : i64, scratch_operands = 0 : i64, tpu.core_type = #tpu.core_type<tc>, window_params = [{transform_indices = @transform_0, window_bounds = array<i64: 2000, 128>}, {pipeline_mode = #tpu.pipeline_mode<synchronous>, transform_indices = @transform_1, window_bounds = array<i64: 128, 128>}, {transform_indices = @transform_2, window_bounds = array<i64: 2000, 128>}]} {
    %get3A = arith.constant 0 : index
    %get3A_0 = arith.constant 0 : index
    %get3A_1 = vector.load %arg1[%get3A, %get3A_0] : memref<2000x128xf32, #tpu.memory_space<vmem>>, vector<2000x128xf32>
    %get3A_2 = arith.constant 0 : index
    %get3A_3 = arith.constant 0 : index
    %get3A_4 = vector.load %arg2[%get3A_2, %get3A_3] : memref<128x128xf32, #tpu.memory_space<vmem>>, vector<128x128xf32>
    %dot_general3A = arith.constant dense<0.000000e+00> : vector<2000x128xf32>
    %dot_general3A_5 = tpu.matmul %get3A_1, %get3A_4, %dot_general3A {dimension_numbers = #tpu.dot_dimension_numbers<[1], [0], [0], [1], [0, 0, 1, 1], [], []>, transpose_lhs_hint = false} : vector<2000x128xf32>, vector<128x128xf32>, vector<2000x128xf32> -> vector<2000x128xf32>
    %swap3A = arith.constant 0 : index
    %swap3A_6 = arith.constant 0 : index
    %swap3A_7 = vector.load %arg3[%swap3A, %swap3A_6] : memref<2000x128xf32, #tpu.memory_space<vmem>>, vector<2000x128xf32>
    tpu.vector_store %arg3[%swap3A, %swap3A_6], %dot_general3A_5 {strides = array<i32>} : memref<2000x128xf32, #tpu.memory_space<vmem>>, vector<2000x128xf32>,
    return
  }
  func.func @transform_0(%arg0: i32) -> (i32, i32) {
    %c0_i32 = arith.constant 0 : i32
    %c0_i32_0 = arith.constant 0 : i32
    return %arg0, %c0_i32 : i32, i32
  }
  func.func @transform_1(%arg0: i32) -> (i32, i32) {
    %c0_i32 = arith.constant 0 : i32
    %c0_i32_0 = arith.constant 0 : i32
    %c0_i32_1 = arith.constant 0 : i32
    return %c0_i32, %c0_i32_0 : i32, i32
  }
  func.func @transform_2(%arg0: i32) -> (i32, i32) {
    %c0_i32 = arith.constant 0 : i32
    %c0_i32_0 = arith.constant 0 : i32
    return %arg0, %c0_i32 : i32, i32
  }
}

module attributes {stable_mosaic.version = 14 : i64} {
  func.func @_prep_body(%arg0: i32, %arg1: memref<2x2000x16xf32, #tpu.memory_space<vmem>>, %arg2: memref<2000x128xf32, #tpu.memory_space<vmem>>, %arg3: memref<2000x8xf32, #tpu.memory_space<vmem>>, %arg4: memref<2000x128xf32, #tpu.memory_space<vmem>>) attributes {dimension_semantics = [#tpu.dimension_semantics<arbitrary>], iteration_bounds = array<i64: 5>, scalar_prefetch = 0 : i64, scratch_operands = 0 : i64, tpu.core_type = #tpu.core_type<tc>, window_params = [{transform_indices = @transform_0, window_bounds = array<i64: 2, 2000, 16>}, {transform_indices = @transform_1, window_bounds = array<i64: 2000, 128>}, {transform_indices = @transform_2, window_bounds = array<i64: 2000, 8>}, {transform_indices = @transform_3, window_bounds = array<i64: 2000, 128>}]} {
    %get3A = arith.constant 0 : index
    %get3A_0 = arith.constant 0 : index
    %get3A_1 = arith.constant 0 : index
    %get3A_2 = vector.load %arg1[%get3A, %get3A_0, %get3A_1] : memref<2x2000x16xf32, #tpu.memory_space<vmem>>, vector<1x2000x16xf32>
    %get3A_3 = vector.shape_cast %get3A_2 : vector<1x2000x16xf32> to vector<2000x16xf32>
    %get3A_4 = arith.constant 1 : index
    %get3A_5 = arith.constant 0 : index
    %get3A_6 = arith.constant 0 : index
    %get3A_7 = vector.load %arg1[%get3A_4, %get3A_5, %get3A_6] : memref<2x2000x16xf32, #tpu.memory_space<vmem>>, vector<1x2000x16xf32>
    %get3A_8 = vector.shape_cast %get3A_7 : vector<1x2000x16xf32> to vector<2000x16xf32>
    %add3A = arith.addf %get3A_3, %get3A_8 : vector<2000x16xf32>
    %slice3A = vector.extract_strided_slice %add3A {offsets = [0, 0], sizes = [2000, 1], strides = [1, 1]} : vector<2000x16xf32> to vector<2000x1xf32>
    %add3A_9 = arith.constant 1.000000e+00 : f32
    %add3A_10 = vector.broadcast %add3A_9 : f32 to vector<2000x1xf32>
    %add3A_11 = arith.addf %slice3A, %add3A_10 : vector<2000x1xf32>
    %rsqrt3A = math.rsqrt %add3A_11 : vector<2000x1xf32>
    %broadcast_in_dim3A = vector.shape_cast %rsqrt3A : vector<2000x1xf32> to vector<2000x1xf32>
    %broadcast_in_dim3A_12 = vector.broadcast %broadcast_in_dim3A : vector<2000x1xf32> to vector<2000x8xf32>
    %swap3A = arith.constant 0 : index
    %swap3A_13 = arith.constant 0 : index
    %swap3A_14 = vector.load %arg3[%swap3A, %swap3A_13] : memref<2000x8xf32, #tpu.memory_space<vmem>>, vector<2000x8xf32>
    tpu.vector_store %arg3[%swap3A, %swap3A_13], %broadcast_in_dim3A_12 {strides = array<i32>} : memref<2000x8xf32, #tpu.memory_space<vmem>>, vector<2000x8xf32>,
    %get3A_15 = arith.constant 0 : index
    %get3A_16 = arith.constant 0 : index
    %get3A_17 = vector.load %arg2[%get3A_15, %get3A_16] : memref<2000x128xf32, #tpu.memory_space<vmem>>, vector<2000x128xf32>
    %mul3A = vector.broadcast %rsqrt3A : vector<2000x1xf32> to vector<2000x128xf32>
    %mul3A_18 = arith.mulf %get3A_17, %mul3A : vector<2000x128xf32>
    %swap3A_19 = arith.constant 0 : index
    %swap3A_20 = arith.constant 0 : index
    %swap3A_21 = vector.load %arg4[%swap3A_19, %swap3A_20] : memref<2000x128xf32, #tpu.memory_space<vmem>>, vector<2000x128xf32>
    tpu.vector_store %arg4[%swap3A_19, %swap3A_20], %mul3A_18 {strides = array<i32>} : memref<2000x128xf32, #tpu.memory_space<vmem>>, vector<2000x128xf32>,
    return
  }
  func.func @transform_0(%arg0: i32) -> (i32, i32, i32) {
    %c0_i32 = arith.constant 0 : i32
    %c0_i32_0 = arith.constant 0 : i32
    %c0_i32_1 = arith.constant 0 : i32
    return %c0_i32, %arg0, %c0_i32_0 : i32, i32, i32
  }
  func.func @transform_1(%arg0: i32) -> (i32, i32) {
    %c0_i32 = arith.constant 0 : i32
    %c0_i32_0 = arith.constant 0 : i32
    return %arg0, %c0_i32 : i32, i32
  }
  func.func @transform_2(%arg0: i32) -> (i32, i32) {
    %c0_i32 = arith.constant 0 : i32
    %c0_i32_0 = arith.constant 0 : i32
    return %arg0, %c0_i32 : i32, i32
  }
  func.func @transform_3(%arg0: i32) -> (i32, i32) {
    %c0_i32 = arith.constant 0 : i32
    %c0_i32_0 = arith.constant 0 : i32
    return %arg0, %c0_i32 : i32, i32
  }
}

module attributes {stable_mosaic.version = 14 : i64} {
  func.func @_mid_body(%arg0: i32, %arg1: memref<2x2000x128xf32, #tpu.memory_space<vmem>>, %arg2: memref<2000x128xf32, #tpu.memory_space<vmem>>, %arg3: memref<2000x8xf32, #tpu.memory_space<vmem>>, %arg4: memref<1x128xf32, #tpu.memory_space<vmem>>, %arg5: memref<128x128xf32, #tpu.memory_space<vmem>>, %arg6: memref<2000x128xf32, #tpu.memory_space<vmem>>) attributes {dimension_semantics = [#tpu.dimension_semantics<arbitrary>], iteration_bounds = array<i64: 5>, scalar_prefetch = 0 : i64, scratch_operands = 0 : i64, tpu.core_type = #tpu.core_type<tc>, window_params = [{transform_indices = @transform_0, window_bounds = array<i64: 2, 2000, 128>}, {transform_indices = @transform_1, window_bounds = array<i64: 2000, 128>}, {transform_indices = @transform_2, window_bounds = array<i64: 2000, 8>}, {pipeline_mode = #tpu.pipeline_mode<synchronous>, transform_indices = @transform_3, window_bounds = array<i64: 1, 128>}, {pipeline_mode = #tpu.pipeline_mode<synchronous>, transform_indices = @transform_4, window_bounds = array<i64: 128, 128>}, {transform_indices = @transform_5, window_bounds = array<i64: 2000, 128>}]} {
    %get3A = arith.constant 0 : index
    %get3A_0 = arith.constant 0 : index
    %get3A_1 = vector.load %arg3[%get3A, %get3A_0] : memref<2000x8xf32, #tpu.memory_space<vmem>>, vector<2000x1xf32>
    %get3A_2 = arith.constant 0 : index
    %get3A_3 = arith.constant 0 : index
    %get3A_4 = arith.constant 0 : index
    %get3A_5 = vector.load %arg1[%get3A_2, %get3A_3, %get3A_4] : memref<2x2000x128xf32, #tpu.memory_space<vmem>>, vector<1x2000x128xf32>
    %get3A_6 = vector.shape_cast %get3A_5 : vector<1x2000x128xf32> to vector<2000x128xf32>
    %get3A_7 = arith.constant 1 : index
    %get3A_8 = arith.constant 0 : index
    %get3A_9 = arith.constant 0 : index
    %get3A_10 = vector.load %arg1[%get3A_7, %get3A_8, %get3A_9] : memref<2x2000x128xf32, #tpu.memory_space<vmem>>, vector<1x2000x128xf32>
    %get3A_11 = vector.shape_cast %get3A_10 : vector<1x2000x128xf32> to vector<2000x128xf32>
    %add3A = arith.addf %get3A_6, %get3A_11 : vector<2000x128xf32>
    %get3A_12 = arith.constant 0 : index
    %get3A_13 = arith.constant 0 : index
    %get3A_14 = vector.load %arg2[%get3A_12, %get3A_13] : memref<2000x128xf32, #tpu.memory_space<vmem>>, vector<2000x128xf32>
    %add3A_15 = arith.addf %add3A, %get3A_14 : vector<2000x128xf32>
    %mul3A = vector.broadcast %get3A_1 : vector<2000x1xf32> to vector<2000x128xf32>
    %mul3A_16 = arith.mulf %add3A_15, %mul3A : vector<2000x128xf32>
    %get3A_17 = arith.constant 0 : index
    %get3A_18 = arith.constant 0 : index
    %get3A_19 = vector.load %arg4[%get3A_17, %get3A_18] : memref<1x128xf32, #tpu.memory_space<vmem>>, vector<1x128xf32>
    %add3A_20 = vector.broadcast %get3A_19 : vector<1x128xf32> to vector<2000x128xf32>
    %add3A_21 = arith.addf %mul3A_16, %add3A_20 : vector<2000x128xf32>
    %max3A = arith.constant 0.000000e+00 : f32
    %max3A_22 = vector.broadcast %max3A : f32 to vector<2000x128xf32>
    %max3A_23 = arith.maximumf %add3A_21, %max3A_22 : vector<2000x128xf32>
    %get3A_24 = arith.constant 0 : index
    %get3A_25 = arith.constant 0 : index
    %get3A_26 = vector.load %arg5[%get3A_24, %get3A_25] : memref<128x128xf32, #tpu.memory_space<vmem>>, vector<128x128xf32>
    %dot_general3A = arith.constant dense<0.000000e+00> : vector<2000x128xf32>
    %dot_general3A_27 = tpu.matmul %max3A_23, %get3A_26, %dot_general3A {dimension_numbers = #tpu.dot_dimension_numbers<[1], [0], [0], [1], [0, 0, 1, 1], [], []>, transpose_lhs_hint = false} : vector<2000x128xf32>, vector<128x128xf32>, vector<2000x128xf32> -> vector<2000x128xf32>
    %mul3A_28 = vector.broadcast %get3A_1 : vector<2000x1xf32> to vector<2000x128xf32>
    %mul3A_29 = arith.mulf %dot_general3A_27, %mul3A_28 : vector<2000x128xf32>
    %swap3A = arith.constant 0 : index
    %swap3A_30 = arith.constant 0 : index
    %swap3A_31 = vector.load %arg6[%swap3A, %swap3A_30] : memref<2000x128xf32, #tpu.memory_space<vmem>>, vector<2000x128xf32>
    tpu.vector_store %arg6[%swap3A, %swap3A_30], %mul3A_29 {strides = array<i32>} : memref<2000x128xf32, #tpu.memory_space<vmem>>, vector<2000x128xf32>,
    return
  }
  func.func @transform_0(%arg0: i32) -> (i32, i32, i32) {
    %c0_i32 = arith.constant 0 : i32
    %c0_i32_0 = arith.constant 0 : i32
    %c0_i32_1 = arith.constant 0 : i32
    return %c0_i32, %arg0, %c0_i32_0 : i32, i32, i32
  }
  func.func @transform_1(%arg0: i32) -> (i32, i32) {
    %c0_i32 = arith.constant 0 : i32
    %c0_i32_0 = arith.constant 0 : i32
    return %arg0, %c0_i32 : i32, i32
  }
  func.func @transform_2(%arg0: i32) -> (i32, i32) {
    %c0_i32 = arith.constant 0 : i32
    %c0_i32_0 = arith.constant 0 : i32
    return %arg0, %c0_i32 : i32, i32
  }
  func.func @transform_3(%arg0: i32) -> (i32, i32) {
    %c0_i32 = arith.constant 0 : i32
    %c0_i32_0 = arith.constant 0 : i32
    %c0_i32_1 = arith.constant 0 : i32
    return %c0_i32, %c0_i32_0 : i32, i32
  }
  func.func @transform_4(%arg0: i32) -> (i32, i32) {
    %c0_i32 = arith.constant 0 : i32
    %c0_i32_0 = arith.constant 0 : i32
    %c0_i32_1 = arith.constant 0 : i32
    return %c0_i32, %c0_i32_0 : i32, i32
  }
  func.func @transform_5(%arg0: i32) -> (i32, i32) {
    %c0_i32 = arith.constant 0 : i32
    %c0_i32_0 = arith.constant 0 : i32
    return %arg0, %c0_i32 : i32, i32
  }
}

module attributes {stable_mosaic.version = 14 : i64} {
  func.func @_fin_body(%arg0: i32, %arg1: memref<8x128xf32, #tpu.memory_space<vmem>>, %arg2: memref<8x128xf32, #tpu.memory_space<vmem>>, %arg3: memref<8x128xf32, #tpu.memory_space<vmem>>, %arg4: memref<8x8xf32, #tpu.memory_space<vmem>>, %arg5: memref<2x1000x128xf32, #tpu.memory_space<vmem>>, %arg6: memref<1000x128xf32, #tpu.memory_space<vmem>>, %arg7: memref<1000x8xf32, #tpu.memory_space<vmem>>, %arg8: memref<8x128xf32, #tpu.memory_space<vmem>>, %arg9: memref<8x128xf32, #tpu.memory_space<vmem>>, %arg10: memref<8x128xf32, #tpu.memory_space<vmem>>, %arg11: memref<8x8xf32, #tpu.memory_space<vmem>>, %arg12: memref<1x128xf32, #tpu.memory_space<vmem>>, %arg13: memref<3x128x128xf32, #tpu.memory_space<vmem>>, %arg14: memref<1x128xf32, #tpu.memory_space<vmem>>, %arg15: memref<128x128xf32, #tpu.memory_space<vmem>>, %arg16: memref<1x128xf32, #tpu.memory_space<vmem>>, %arg17: memref<1000x128xf32, #tpu.memory_space<vmem>>) attributes {dimension_semantics = [#tpu.dimension_semantics<arbitrary>], iteration_bounds = array<i64: 10>, scalar_prefetch = 0 : i64, scratch_operands = 0 : i64, tpu.core_type = #tpu.core_type<tc>, window_params = [{transform_indices = @transform_0, window_bounds = array<i64: 8, 128>}, {transform_indices = @transform_1, window_bounds = array<i64: 8, 128>}, {transform_indices = @transform_2, window_bounds = array<i64: 8, 128>}, {transform_indices = @transform_3, window_bounds = array<i64: 8, 8>}, {transform_indices = @transform_4, window_bounds = array<i64: 2, 1000, 128>}, {transform_indices = @transform_5, window_bounds = array<i64: 1000, 128>}, {transform_indices = @transform_6, window_bounds = array<i64: 1000, 8>}, {transform_indices = @transform_7, window_bounds = array<i64: 8, 128>}, {transform_indices = @transform_8, window_bounds = array<i64: 8, 128>}, {transform_indices = @transform_9, window_bounds = array<i64: 8, 128>}, {transform_indices = @transform_10, window_bounds = array<i64: 8, 8>}, {pipeline_mode = #tpu.pipeline_mode<synchronous>, transform_indices = @transform_11, window_bounds = array<i64: 1, 128>}, {pipeline_mode = #tpu.pipeline_mode<synchronous>, transform_indices = @transform_12, window_bounds = array<i64: 3, 128, 128>}, {pipeline_mode = #tpu.pipeline_mode<synchronous>, transform_indices = @transform_13, window_bounds = array<i64: 1, 128>}, {pipeline_mode = #tpu.pipeline_mode<synchronous>, transform_indices = @transform_14, window_bounds = array<i64: 128, 128>}, {pipeline_mode = #tpu.pipeline_mode<synchronous>, transform_indices = @transform_15, window_bounds = array<i64: 1, 128>}, {transform_indices = @transform_16, window_bounds = array<i64: 1000, 128>}]} {
    %get3A = arith.constant 0 : index
    %get3A_0 = arith.constant 0 : index
    %get3A_1 = vector.load %arg12[%get3A, %get3A_0] : memref<1x128xf32, #tpu.memory_space<vmem>>, vector<1x128xf32>
    %get3A_2 = arith.constant 0 : index
    %get3A_3 = arith.constant 0 : index
    %get3A_4 = arith.constant 0 : index
    %get3A_5 = vector.load %arg5[%get3A_2, %get3A_3, %get3A_4] : memref<2x1000x128xf32, #tpu.memory_space<vmem>>, vector<1x1000x128xf32>
    %get3A_6 = vector.shape_cast %get3A_5 : vector<1x1000x128xf32> to vector<1000x128xf32>
    %get3A_7 = arith.constant 1 : index
    %get3A_8 = arith.constant 0 : index
    %get3A_9 = arith.constant 0 : index
    %get3A_10 = vector.load %arg5[%get3A_7, %get3A_8, %get3A_9] : memref<2x1000x128xf32, #tpu.memory_space<vmem>>, vector<1x1000x128xf32>
    %get3A_11 = vector.shape_cast %get3A_10 : vector<1x1000x128xf32> to vector<1000x128xf32>
    %add3A = arith.addf %get3A_6, %get3A_11 : vector<1000x128xf32>
    %get3A_12 = arith.constant 0 : index
    %get3A_13 = arith.constant 0 : index
    %get3A_14 = vector.load %arg6[%get3A_12, %get3A_13] : memref<1000x128xf32, #tpu.memory_space<vmem>>, vector<1000x128xf32>
    %add3A_15 = arith.addf %add3A, %get3A_14 : vector<1000x128xf32>
    %get3A_16 = arith.constant 0 : index
    %get3A_17 = arith.constant 0 : index
    %get3A_18 = vector.load %arg7[%get3A_16, %get3A_17] : memref<1000x8xf32, #tpu.memory_space<vmem>>, vector<1000x1xf32>
    %mul3A = vector.broadcast %get3A_18 : vector<1000x1xf32> to vector<1000x128xf32>
    %mul3A_19 = arith.mulf %add3A_15, %mul3A : vector<1000x128xf32>
    %add3A_20 = vector.broadcast %get3A_1 : vector<1x128xf32> to vector<1000x128xf32>
    %add3A_21 = arith.addf %mul3A_19, %add3A_20 : vector<1000x128xf32>
    %max3A = arith.constant 0.000000e+00 : f32
    %max3A_22 = vector.broadcast %max3A : f32 to vector<1000x128xf32>
    %max3A_23 = arith.maximumf %add3A_21, %max3A_22 : vector<1000x128xf32>
    %get3A_24 = arith.constant 7 : index
    %get3A_25 = arith.constant 0 : index
    %get3A_26 = vector.load %arg1[%get3A_24, %get3A_25] : memref<8x128xf32, #tpu.memory_space<vmem>>, vector<1x128xf32>
    %get3A_27 = arith.constant 7 : index
    %get3A_28 = arith.constant 0 : index
    %get3A_29 = vector.load %arg2[%get3A_27, %get3A_28] : memref<8x128xf32, #tpu.memory_space<vmem>>, vector<1x128xf32>
    %add3A_30 = arith.addf %get3A_26, %get3A_29 : vector<1x128xf32>
    %get3A_31 = arith.constant 7 : index
    %get3A_32 = arith.constant 0 : index
    %get3A_33 = vector.load %arg3[%get3A_31, %get3A_32] : memref<8x128xf32, #tpu.memory_space<vmem>>, vector<1x128xf32>
    %add3A_34 = arith.addf %add3A_30, %get3A_33 : vector<1x128xf32>
    %get3A_35 = arith.constant 7 : index
    %get3A_36 = arith.constant 0 : index
    %get3A_37 = vector.load %arg4[%get3A_35, %get3A_36] : memref<8x8xf32, #tpu.memory_space<vmem>>, vector<1x1xf32>
    %mul3A_38 = vector.broadcast %get3A_37 : vector<1x1xf32> to vector<1x128xf32>
    %mul3A_39 = arith.mulf %add3A_34, %mul3A_38 : vector<1x128xf32>
    %add3A_40 = arith.addf %mul3A_39, %get3A_1 : vector<1x128xf32>
    %max3A_41 = arith.constant 0.000000e+00 : f32
    %max3A_42 = vector.broadcast %max3A_41 : f32 to vector<1x128xf32>
    %max3A_43 = arith.maximumf %add3A_40, %max3A_42 : vector<1x128xf32>
    %get3A_44 = arith.constant 0 : index
    %get3A_45 = arith.constant 0 : index
    %get3A_46 = vector.load %arg8[%get3A_44, %get3A_45] : memref<8x128xf32, #tpu.memory_space<vmem>>, vector<1x128xf32>
    %get3A_47 = arith.constant 0 : index
    %get3A_48 = arith.constant 0 : index
    %get3A_49 = vector.load %arg9[%get3A_47, %get3A_48] : memref<8x128xf32, #tpu.memory_space<vmem>>, vector<1x128xf32>
    %add3A_50 = arith.addf %get3A_46, %get3A_49 : vector<1x128xf32>
    %get3A_51 = arith.constant 0 : index
    %get3A_52 = arith.constant 0 : index
    %get3A_53 = vector.load %arg10[%get3A_51, %get3A_52] : memref<8x128xf32, #tpu.memory_space<vmem>>, vector<1x128xf32>
    %add3A_54 = arith.addf %add3A_50, %get3A_53 : vector<1x128xf32>
    %get3A_55 = arith.constant 0 : index
    %get3A_56 = arith.constant 0 : index
    %get3A_57 = vector.load %arg11[%get3A_55, %get3A_56] : memref<8x8xf32, #tpu.memory_space<vmem>>, vector<1x1xf32>
    %mul3A_58 = vector.broadcast %get3A_57 : vector<1x1xf32> to vector<1x128xf32>
    %mul3A_59 = arith.mulf %add3A_54, %mul3A_58 : vector<1x128xf32>
    %add3A_60 = arith.addf %mul3A_59, %get3A_1 : vector<1x128xf32>
    %max3A_61 = arith.constant 0.000000e+00 : f32
    %max3A_62 = vector.broadcast %max3A_61 : f32 to vector<1x128xf32>
    %max3A_63 = arith.maximumf %add3A_60, %max3A_62 : vector<1x128xf32>
    %get3A_64 = arith.constant 0 : index
    %get3A_65 = arith.constant 0 : index
    %get3A_66 = vector.load %arg15[%get3A_64, %get3A_65] : memref<128x128xf32, #tpu.memory_space<vmem>>, vector<128x128xf32>
    %get3A_67 = arith.constant 0 : index
    %get3A_68 = arith.constant 0 : index
    %get3A_69 = arith.constant 0 : index
    %get3A_70 = vector.load %arg13[%get3A_67, %get3A_68, %get3A_69] : memref<3x128x128xf32, #tpu.memory_space<vmem>>, vector<1x128x128xf32>
    %get3A_71 = vector.shape_cast %get3A_70 : vector<1x128x128xf32> to vector<128x128xf32>
    %dot_general3A = arith.constant dense<0.000000e+00> : vector<128x128xf32>
    %dot_general3A_72 = tpu.matmul %get3A_71, %get3A_66, %dot_general3A {dimension_numbers = #tpu.dot_dimension_numbers<[0], [0], [1], [1], [0, 1, 1, 1], [], []>, transpose_lhs_hint = false} : vector<128x128xf32>, vector<128x128xf32>, vector<128x128xf32> -> vector<128x128xf32>
    %get3A_73 = arith.constant 1 : index
    %get3A_74 = arith.constant 0 : index
    %get3A_75 = arith.constant 0 : index
    %get3A_76 = vector.load %arg13[%get3A_73, %get3A_74, %get3A_75] : memref<3x128x128xf32, #tpu.memory_space<vmem>>, vector<1x128x128xf32>
    %get3A_77 = vector.shape_cast %get3A_76 : vector<1x128x128xf32> to vector<128x128xf32>
    %dot_general3A_78 = arith.constant dense<0.000000e+00> : vector<128x128xf32>
    %dot_general3A_79 = tpu.matmul %get3A_77, %get3A_66, %dot_general3A_78 {dimension_numbers = #tpu.dot_dimension_numbers<[0], [0], [1], [1], [0, 1, 1, 1], [], []>, transpose_lhs_hint = false} : vector<128x128xf32>, vector<128x128xf32>, vector<128x128xf32> -> vector<128x128xf32>
    %get3A_80 = arith.constant 2 : index
    %get3A_81 = arith.constant 0 : index
    %get3A_82 = arith.constant 0 : index
    %get3A_83 = vector.load %arg13[%get3A_80, %get3A_81, %get3A_82] : memref<3x128x128xf32, #tpu.memory_space<vmem>>, vector<1x128x128xf32>
    %get3A_84 = vector.shape_cast %get3A_83 : vector<1x128x128xf32> to vector<128x128xf32>
    %dot_general3A_85 = arith.constant dense<0.000000e+00> : vector<128x128xf32>
    %dot_general3A_86 = tpu.matmul %get3A_84, %get3A_66, %dot_general3A_85 {dimension_numbers = #tpu.dot_dimension_numbers<[0], [0], [1], [1], [0, 1, 1, 1], [], []>, transpose_lhs_hint = false} : vector<128x128xf32>, vector<128x128xf32>, vector<128x128xf32> -> vector<128x128xf32>
    %get3A_87 = arith.constant 0 : index
    %get3A_88 = arith.constant 0 : index
    %get3A_89 = vector.load %arg14[%get3A_87, %get3A_88] : memref<1x128xf32, #tpu.memory_space<vmem>>, vector<1x128xf32>
    %dot_general3A_90 = arith.constant dense<0.000000e+00> : vector<1x128xf32>
    %dot_general3A_91 = tpu.matmul %get3A_89, %get3A_66, %dot_general3A_90 {dimension_numbers = #tpu.dot_dimension_numbers<[1], [0], [0], [1], [0, 0, 1, 1], [], []>, transpose_lhs_hint = false} : vector<1x128xf32>, vector<128x128xf32>, vector<1x128xf32> -> vector<1x128xf32>
    %get3A_92 = arith.constant 0 : index
    %get3A_93 = arith.constant 0 : index
    %get3A_94 = vector.load %arg16[%get3A_92, %get3A_93] : memref<1x128xf32, #tpu.memory_space<vmem>>, vector<1x128xf32>
    %add3A_95 = arith.addf %dot_general3A_91, %get3A_94 : vector<1x128xf32>
    %broadcast_in_dim3A = arith.constant 0.000000e+00 : f32
    %broadcast_in_dim3A_96 = vector.broadcast %broadcast_in_dim3A : f32 to vector<1x128xf32>
    %gt3A = arith.constant 0 : i32
    %gt3A_97 = arith.cmpi sgt, %arg0, %gt3A : i32
    %select_n3A = arith.select %gt3A_97, %max3A_43, %broadcast_in_dim3A_96 : vector<1x128xf32>
    %lt3A = arith.constant 9 : i32
    %lt3A_98 = arith.cmpi slt, %arg0, %lt3A : i32
    %select_n3A_99 = arith.select %lt3A_98, %max3A_63, %broadcast_in_dim3A_96 : vector<1x128xf32>
    %slice3A = vector.extract_strided_slice %max3A_23 {offsets = [0, 0], sizes = [999, 128], strides = [1, 1]} : vector<1000x128xf32> to vector<999x128xf32>
    %concatenate3A = tpu.concatenate %select_n3A, %slice3A in 0 : vector<1x128xf32>, vector<999x128xf32> -> vector<1000x128xf32>
    %slice3A_100 = vector.extract_strided_slice %max3A_23 {offsets = [1, 0], sizes = [999, 128], strides = [1, 1]} : vector<1000x128xf32> to vector<999x128xf32>
    %concatenate3A_101 = tpu.concatenate %slice3A_100, %select_n3A_99 in 0 : vector<999x128xf32>, vector<1x128xf32> -> vector<1000x128xf32>
    %dot_general3A_102 = arith.constant dense<0.000000e+00> : vector<1000x128xf32>
    %dot_general3A_103 = tpu.matmul %concatenate3A, %dot_general3A_72, %dot_general3A_102 {dimension_numbers = #tpu.dot_dimension_numbers<[1], [0], [0], [1], [0, 0, 1, 1], [], []>, transpose_lhs_hint = false} : vector<1000x128xf32>, vector<128x128xf32>, vector<1000x128xf32> -> vector<1000x128xf32>
    %dot_general3A_104 = arith.constant dense<0.000000e+00> : vector<1000x128xf32>
    %dot_general3A_105 = tpu.matmul %max3A_23, %dot_general3A_79, %dot_general3A_104 {dimension_numbers = #tpu.dot_dimension_numbers<[1], [0], [0], [1], [0, 0, 1, 1], [], []>, transpose_lhs_hint = false} : vector<1000x128xf32>, vector<128x128xf32>, vector<1000x128xf32> -> vector<1000x128xf32>
    %add3A_106 = arith.addf %dot_general3A_103, %dot_general3A_105 : vector<1000x128xf32>
    %dot_general3A_107 = arith.constant dense<0.000000e+00> : vector<1000x128xf32>
    %dot_general3A_108 = tpu.matmul %concatenate3A_101, %dot_general3A_86, %dot_general3A_107 {dimension_numbers = #tpu.dot_dimension_numbers<[1], [0], [0], [1], [0, 0, 1, 1], [], []>, transpose_lhs_hint = false} : vector<1000x128xf32>, vector<128x128xf32>, vector<1000x128xf32> -> vector<1000x128xf32>
    %add3A_109 = arith.addf %add3A_106, %dot_general3A_108 : vector<1000x128xf32>
    %add3A_110 = vector.broadcast %add3A_95 : vector<1x128xf32> to vector<1000x128xf32>
    %add3A_111 = arith.addf %add3A_109, %add3A_110 : vector<1000x128xf32>
    %swap3A = arith.constant 0 : index
    %swap3A_112 = arith.constant 0 : index
    %swap3A_113 = vector.load %arg17[%swap3A, %swap3A_112] : memref<1000x128xf32, #tpu.memory_space<vmem>>, vector<1000x128xf32>
    tpu.vector_store %arg17[%swap3A, %swap3A_112], %add3A_111 {strides = array<i32>} : memref<1000x128xf32, #tpu.memory_space<vmem>>, vector<1000x128xf32>,
    return
  }
  func.func @transform_0(%arg0: i32) -> (i32, i32) {
    %mul3A = arith.constant 125 : i32
    %mul3A_0 = arith.muli %arg0, %mul3A : i32
    %sub3A = arith.constant 1 : i32
    %sub3A_1 = arith.subi %mul3A_0, %sub3A : i32
    %max3A = arith.constant 0 : i32
    %max3A_2 = arith.maxsi %sub3A_1, %max3A : i32
    %c0_i32 = arith.constant 0 : i32
    %c0_i32_3 = arith.constant 0 : i32
    return %max3A_2, %c0_i32 : i32, i32
  }
  func.func @transform_1(%arg0: i32) -> (i32, i32) {
    %mul3A = arith.constant 125 : i32
    %mul3A_0 = arith.muli %arg0, %mul3A : i32
    %sub3A = arith.constant 1 : i32
    %sub3A_1 = arith.subi %mul3A_0, %sub3A : i32
    %max3A = arith.constant 0 : i32
    %max3A_2 = arith.maxsi %sub3A_1, %max3A : i32
    %add3A = arith.constant 1280 : i32
    %add3A_3 = arith.addi %add3A, %max3A_2 : i32
    %c0_i32 = arith.constant 0 : i32
    %c0_i32_4 = arith.constant 0 : i32
    return %add3A_3, %c0_i32 : i32, i32
  }
  func.func @transform_2(%arg0: i32) -> (i32, i32) {
    %mul3A = arith.constant 125 : i32
    %mul3A_0 = arith.muli %arg0, %mul3A : i32
    %sub3A = arith.constant 1 : i32
    %sub3A_1 = arith.subi %mul3A_0, %sub3A : i32
    %max3A = arith.constant 0 : i32
    %max3A_2 = arith.maxsi %sub3A_1, %max3A : i32
    %c0_i32 = arith.constant 0 : i32
    %c0_i32_3 = arith.constant 0 : i32
    return %max3A_2, %c0_i32 : i32, i32
  }
  func.func @transform_3(%arg0: i32) -> (i32, i32) {
    %mul3A = arith.constant 125 : i32
    %mul3A_0 = arith.muli %arg0, %mul3A : i32
    %sub3A = arith.constant 1 : i32
    %sub3A_1 = arith.subi %mul3A_0, %sub3A : i32
    %max3A = arith.constant 0 : i32
    %max3A_2 = arith.maxsi %sub3A_1, %max3A : i32
    %c0_i32 = arith.constant 0 : i32
    %c0_i32_3 = arith.constant 0 : i32
    return %max3A_2, %c0_i32 : i32, i32
  }
  func.func @transform_4(%arg0: i32) -> (i32, i32, i32) {
    %c0_i32 = arith.constant 0 : i32
    %c0_i32_0 = arith.constant 0 : i32
    %c0_i32_1 = arith.constant 0 : i32
    return %c0_i32, %arg0, %c0_i32_0 : i32, i32, i32
  }
  func.func @transform_5(%arg0: i32) -> (i32, i32) {
    %c0_i32 = arith.constant 0 : i32
    %c0_i32_0 = arith.constant 0 : i32
    return %arg0, %c0_i32 : i32, i32
  }
  func.func @transform_6(%arg0: i32) -> (i32, i32) {
    %c0_i32 = arith.constant 0 : i32
    %c0_i32_0 = arith.constant 0 : i32
    return %arg0, %c0_i32 : i32, i32
  }
  func.func @transform_7(%arg0: i32) -> (i32, i32) {
    %add3A = arith.constant 1 : i32
    %add3A_0 = arith.addi %arg0, %add3A : i32
    %mul3A = arith.constant 125 : i32
    %mul3A_1 = arith.muli %add3A_0, %mul3A : i32
    %min3A = arith.constant 1249 : i32
    %min3A_2 = arith.minsi %mul3A_1, %min3A : i32
    %c0_i32 = arith.constant 0 : i32
    %c0_i32_3 = arith.constant 0 : i32
    return %min3A_2, %c0_i32 : i32, i32
  }
  func.func @transform_8(%arg0: i32) -> (i32, i32) {
    %add3A = arith.constant 1 : i32
    %add3A_0 = arith.addi %arg0, %add3A : i32
    %mul3A = arith.constant 125 : i32
    %mul3A_1 = arith.muli %add3A_0, %mul3A : i32
    %min3A = arith.constant 1249 : i32
    %min3A_2 = arith.minsi %mul3A_1, %min3A : i32
    %add3A_3 = arith.constant 1280 : i32
    %add3A_4 = arith.addi %add3A_3, %min3A_2 : i32
    %c0_i32 = arith.constant 0 : i32
    %c0_i32_5 = arith.constant 0 : i32
    return %add3A_4, %c0_i32 : i32, i32
  }
  func.func @transform_9(%arg0: i32) -> (i32, i32) {
    %add3A = arith.constant 1 : i32
    %add3A_0 = arith.addi %arg0, %add3A : i32
    %mul3A = arith.constant 125 : i32
    %mul3A_1 = arith.muli %add3A_0, %mul3A : i32
    %min3A = arith.constant 1249 : i32
    %min3A_2 = arith.minsi %mul3A_1, %min3A : i32
    %c0_i32 = arith.constant 0 : i32
    %c0_i32_3 = arith.constant 0 : i32
    return %min3A_2, %c0_i32 : i32, i32
  }
  func.func @transform_10(%arg0: i32) -> (i32, i32) {
    %add3A = arith.constant 1 : i32
    %add3A_0 = arith.addi %arg0, %add3A : i32
    %mul3A = arith.constant 125 : i32
    %mul3A_1 = arith.muli %add3A_0, %mul3A : i32
    %min3A = arith.constant 1249 : i32
    %min3A_2 = arith.minsi %mul3A_1, %min3A : i32
    %c0_i32 = arith.constant 0 : i32
    %c0_i32_3 = arith.constant 0 : i32
    return %min3A_2, %c0_i32 : i32, i32
  }
  func.func @transform_11(%arg0: i32) -> (i32, i32) {
    %c0_i32 = arith.constant 0 : i32
    %c0_i32_0 = arith.constant 0 : i32
    %c0_i32_1 = arith.constant 0 : i32
    return %c0_i32, %c0_i32_0 : i32, i32
  }
  func.func @transform_12(%arg0: i32) -> (i32, i32, i32) {
    %c0_i32 = arith.constant 0 : i32
    %c0_i32_0 = arith.constant 0 : i32
    %c0_i32_1 = arith.constant 0 : i32
    %c0_i32_2 = arith.constant 0 : i32
    return %c0_i32, %c0_i32_0, %c0_i32_1 : i32, i32, i32
  }
  func.func @transform_13(%arg0: i32) -> (i32, i32) {
    %c0_i32 = arith.constant 0 : i32
    %c0_i32_0 = arith.constant 0 : i32
    %c0_i32_1 = arith.constant 0 : i32
    return %c0_i32, %c0_i32_0 : i32, i32
  }
  func.func @transform_14(%arg0: i32) -> (i32, i32) {
    %c0_i32 = arith.constant 0 : i32
    %c0_i32_0 = arith.constant 0 : i32
    %c0_i32_1 = arith.constant 0 : i32
    return %c0_i32, %c0_i32_0 : i32, i32
  }
  func.func @transform_15(%arg0: i32) -> (i32, i32) {
    %c0_i32 = arith.constant 0 : i32
    %c0_i32_0 = arith.constant 0 : i32
    %c0_i32_1 = arith.constant 0 : i32
    return %c0_i32, %c0_i32_0 : i32, i32
  }
  func.func @transform_16(%arg0: i32) -> (i32, i32) {
    %c0_i32 = arith.constant 0 : i32
    %c0_i32_0 = arith.constant 0 : i32
    return %arg0, %c0_i32 : i32, i32
  }
}

</mosaic_0001>

<sc_bundles>
// kernel: kernel.12.cloned.1.call-start
scs
__scs_entry_jumppad:
0x0: {  	(pc) =	sbr.rel $0x88, $3  }
0x1: {  	(tag) =	ssettag $0x0;
	lr =	simm.s32 $0x1  }
0x2: {  	[smem:$0x3F97] =	sst lr;
	_ =	strace $0xD0000000  }
0x3: {  	_ = 	snop  }
0x4: {  	_ = 	snop  }
0x5: {  	_ = 	snop  }
0x6: {  	_ = 	snop  }
0x7: {  	_ = 	snop  }
__scs_overlays_trampoline_lowered:
0x8: {  	[smem:$0x3FA6] =	sst s0  }
0x9: {  	[smem:$0x3FA7] =	sst s1  }
0xa: {  	[smem:$0x3FA8] =	sst s2  }
0xb: {  	[smem:$0x3FA9] =	sst s3  }
0xc: {  	[smem:$0x3FAA] =	sst s4  }
0xd: {  	[smem:$0x3FAB] =	sst s5  }
0xe: {  	[smem:$0x3FAC] =	sst s6  }
0xf: {  	[smem:$0x3FAD] =	sst s7  }
0x10: {  	[smem:$0x3FAE] =	sst s8  }
0x11: {  	[smem:$0x3FAF] =	sst s9;
	s0 =	simm.s32 @!p0 $0x0  }
0x12: {  	s1 =	sld [smem:$0x3F95];
	s0 =	simm.s32 @p0 $0x1  }
0x13: {  	[smem:$0x3FB0] =	sst s0;
	s0 =	simm.s32 @!p1 $0x0  }
0x14: {  	s2 =	sld [smem:$0x3F94];
	s0 =	simm.s32 @p1 $0x1  }
0x15: {  	[smem:$0x3FB1] =	sst s0;
	s0 =	simm.s32 @!p2 $0x0  }
0x16: {  	s3 =	sld [smem:$0x3FDB];
	s0 =	simm.s32 @p2 $0x1  }
0x17: {  	s4 =	simm.s32 $0x1BF5;
	[smem:$0x3FB3] =	sst s0  }
0x18: {  	s0 =	sld [smem:$0x3F96];
	_ =	swait.ge [sflag:s4], $0x0  }
0x19: {  	s7 =	sld [smem:$0x3F97]  }
0x1a: {  	s8 =	sadd.s32 $0xFFFFE003, lr  }
0x1b: {  	s9 =	sadd.s32 $0xFFFFFEF7, lr;
	s5 =	simm.s32 $0xFFFFFFFF;
	p2 =	slt.u32 s8, $0xFFFFF086  }
0x1c: {  	p1 =	slt.u32 s9, $0xF7A;
	s5 =	simm.s32 @!p2 $0x0  }
0x1d: {  	s5 =	simm.s32 @p1 $0x1;
	p0 =	seq.s32 s7, s2  }
0x1e: {  	s7 =	smul.u32 @!p0 $0xF7A, s2;
	p2 =	seq.s32 @!p0 s5, $0x0  }
0x1f: {  	s9 =	smul.u32 $0xF7A, s1;
	s8 =	simm.s32 @!p0 $0x1BF5;
	p2 =	por !p2, p0  }
0x20: {  	[sflag:s8] =	ssyncset.s32 @!p0 $0xFFFFF086;
	s6 =	sadd.s32 @!p0 s3, s7;
	s7 =	simm.s32 @!p0 $0x108  }
0x21: {  	s3 =	sadd.s32 s3, s9;
	s6 =	sadd.s32 @!p0 $0x88, s6;
	s7 =	simm.s32 @p2 $0x1082  }
0x22: {  	[simem:s7], [sflag:s8] =	dma.local @!p0 [hbm:s6], $0xF7A  }
0x23: {  	s9 =	sor.u32 $0xD0000000, s2;
	s6 =	simm.s32 $0x108;
	_ =	swait.ge @!p0 [sflag:s8], $0x0  }
0x24: {  	s3 =	sadd.s32 $0x88, s3;
	s6 =	simm.s32 @!p1 $0x1082;
	[sflag:s4] =	ssyncset.s32 $0xFFFFF086  }
0x25: {  	[simem:s6], [sflag:s4] =	dma.local [hbm:s3], $0xF7A  }
0x26: {  	[smem:$0x3F97] =	sst s1;
	(tag) =	ssettag s2;
	_ =	strace s9  }
0x27: {  	s1 =	sld [smem:$0x3FA7]  }
0x28: {  	s2 =	sld [smem:$0x3FA8]  }
0x29: {  	s4 =	sld [smem:$0x3FAA]  }
0x2a: {  	p0 =	seq.s32 s5, $0x0;
	s5 =	sld [smem:$0x3FAB]  }
0x2b: {  	s6 =	sld [smem:$0x3FAC]  }
0x2c: {  	s7 =	sld [smem:$0x3FAD]  }
0x2d: {  	s3 =	simm.s32 $0x108;
	s8 =	sld [smem:$0x3FAE]  }
0x2e: {  	s3 =	simm.s32 @!p0 $0x1082;
	s9 =	sld [smem:$0x3FAF]  }
0x2f: {  	lr =	sadd.s32 s0, s3;
	s0 =	sld [smem:$0x3FA6]  }
0x30: {  	s3 =	sld [smem:$0x3FA9]  }
0x31: {  	[smem:$0x3FB2] =	sst s10  }
0x32: {  	s10 =	sld [smem:$0x3FB0];
	_ =	sdelay $0x3  }
0x33: {  	p0 =	seq.s32 s10, $0x1;
	s10 =	sld [smem:$0x3FB2];
	_ =	sdelay $0x3  }
0x34: {  	[smem:$0x3FB2] =	sst s10  }
0x35: {  	s10 =	sld [smem:$0x3FB1];
	_ =	sdelay $0x3  }
0x36: {  	p1 =	seq.s32 s10, $0x1;
	s10 =	sld [smem:$0x3FB2];
	_ =	sdelay $0x3  }
0x37: {  	[smem:$0x3FB2] =	sst s10  }
0x38: {  	s10 =	sld [smem:$0x3FB3]  }
0x39: {  	_ = 	snop;
	(pc) =	sbr.ind lr, $3  }
0x3a: {  	_ = 	snop  }
0x3b: {  	_ = 	snop  }
0x3c: {  	p2 =	seq.s32 s10, $0x1;
	s10 =	sld [smem:$0x3FB2]  }
0x3d: {  	_ =	shalt  }
0x3e: {  	_ =	shalt  }
0x3f: {  	_ =	shalt  }
0x40: {  	_ =	shalt  }
0x41: {  	_ =	shalt  }
0x42: {  	_ =	shalt  }
0x43: {  	_ =	shalt  }
0x44: {  	_ =	shalt  }
0x45: {  	_ =	shalt  }
0x46: {  	_ =	shalt  }
0x47: {  	_ =	shalt  }
0x48: {  	_ =	shalt  }
0x49: {  	_ =	shalt  }
0x4a: {  	_ =	shalt  }
0x4b: {  	_ =	shalt  }
0x4c: {  	_ =	shalt  }
0x4d: {  	_ =	shalt  }
0x4e: {  	_ =	shalt  }
0x4f: {  	_ =	shalt  }
0x50: {  	_ =	shalt  }
0x51: {  	_ =	shalt  }
0x52: {  	_ =	shalt  }
0x53: {  	_ =	shalt  }
0x54: {  	_ =	shalt  }
0x55: {  	_ =	shalt  }
0x56: {  	_ =	shalt  }
0x57: {  	_ =	shalt  }
0x58: {  	_ =	shalt  }
0x59: {  	_ =	shalt  }
0x5a: {  	_ =	shalt  }
0x5b: {  	_ =	shalt  }
0x5c: {  	_ =	shalt  }
0x5d: {  	_ =	shalt  }
0x5e: {  	_ =	shalt  }
0x5f: {  	_ =	shalt  }
0x60: {  	_ =	shalt  }
0x61: {  	_ =	shalt  }
0x62: {  	_ =	shalt  }
0x63: {  	_ =	shalt  }
0x64: {  	_ =	shalt  }
0x65: {  	_ =	shalt  }
0x66: {  	_ =	shalt  }
0x67: {  	_ =	shalt  }
0x68: {  	_ =	shalt  }
0x69: {  	_ =	shalt  }
0x6a: {  	_ =	shalt  }
0x6b: {  	_ =	shalt  }
0x6c: {  	_ =	shalt  }
0x6d: {  	_ =	shalt  }
0x6e: {  	_ =	shalt  }
0x6f: {  	_ =	shalt  }
0x70: {  	_ =	shalt  }
0x71: {  	_ =	shalt  }
0x72: {  	_ =	shalt  }
0x73: {  	_ =	shalt  }
0x74: {  	_ =	shalt  }
0x75: {  	_ =	shalt  }
0x76: {  	_ =	shalt  }
0x77: {  	_ =	shalt  }
0x78: {  	_ =	shalt  }
0x79: {  	_ =	shalt  }
0x7a: {  	_ =	shalt  }
0x7b: {  	_ =	shalt  }
0x7c: {  	_ =	shalt  }
0x7d: {  	_ =	shalt  }
0x7e: {  	_ =	shalt  }
0x7f: {  	_ =	shalt  }
0x80: {  	_ =	shalt  }
0x81: {  	_ =	shalt  }
0x82: {  	_ =	shalt  }
0x83: {  	_ =	shalt  }
0x84: {  	_ =	shalt  }
0x85: {  	_ =	shalt  }
0x86: {  	_ =	shalt  }
0x87: {  	_ =	shalt  }
.Lfunc_end0:
.L_simem_size_0:
called_computation.1_lowered:
.L_overlay_start_0:
0x88: {  	s2 =	sld [smem:$0x3FD9]  }
0x89: {  	s3 =	sld [smem:$0x3FFE];
	_ =	sdelay $0x1  }
0x8a: {  	s1 =	srdreg.scid  }
0x8b: {  	s0 =	sand.u32 $0x1, s1  }
0x8c: {  	s17 =	sshll.u32 s0, $0xA;
	s2 =	sadd.s32 s3, s2  }
0x8d: {  	s2 =	sadd.s32 s2, s17  }
0x8e: {  	[smem:$0x3FBE] =	sst s2  }
0x8f: {  	_ = 	snop  }
0x90: {  	s2 =	sld [smem:$0x3FD0];
	(tm) =	ssettm $0x1  }
0x91: {  	s18 =	sld [smem:$0x3FFB];
	_ =	sdelay $0x3  }
0x92: {  	_ =	strace s18  }
0x93: {  	s3 =	sld [smem:$0x3FFC];
	_ =	sdelay $0x3  }
0x94: {  	_ =	strace s3  }
0x95: {  	s3 =	sld [smem:$0x3FFD];
	_ =	sdelay $0x3  }
0x96: {  	_ =	strace s3  }
0x97: {  	_ =	strace $0x8FFFFFFF  }
0x98: {  	s19 =	sld [smem:$0x3FDB];
	_ =	sdelay $0x1  }
0x99: {  	s4 =	simm.s32 $_scs_section_size  }
0x9a: {  	s5 =	simm.s32 $_size__tile_overlayer_lowered;
	s6 =	simm.s32 $_tile_overlayer_lowered  }
0x9b: {  	s22 =	simm.s32 $0x1BFF;
	s21 =	sshll.u32 s6, $0x1;
	s3 =	sadd.s32 s4, s19  }
0x9c: {  	s7 =	simm.s32 $0x0;
	s20 =	sshll.u32 s5, $0x1;
	s5 =	sadd.s32 s21, s3  }
0x9d: {  	[timem:s7], [sflag:s22] =	dma.local [hbm:s5], s20  }
0x9e: {  	_ =	swait.ge [sflag:s22], s20  }
0x9f: {  	s4 =	ssub.s32 $0x0, s20;
	[sflag:s22] =	ssyncset.done $0x0  }
0xa0: {  	[sflag:s22] =	ssyncadd.s32 s4;
	_ =	sdelay $0x1  }
0xa1: {  	s23 =	simm.s32 $0x1B8B  }
0xa2: {  	_ =	swait.ge [sflag:s23], $0x1  }
0xa3: {  	[sflag:s23] =	ssyncset.done $0x0  }
0xa4: {  	s25 =	simm.s32 $0x1B8E;
	s24 =	sld [smem:$0x3FFE];
	[sflag:s23] =	ssyncadd.s32 $0xFFFFFFFF  }
0xa5: {  	s26 =	simm.s32 $execute0_lowered;
	[smem:$0x3FD2] =	sst s25  }
0xa6: {  	s5 =	sshll.u32 s26, $0x1;
	_ =	strace $0x80000049;
	[dreg:$0x1] =	wrdreg $0xFFFFFFFF  }
0xa7: {  	s28 =	simm.s32 $_size_execute0_lowered;
	s3 =	sadd.s32 s3, s5;
	[dreg:$0x0] =	wrdreg $0x0  }
0xa8: {  	s5 =	sshll.u32 s28, $0x1;
	[dreg:$0x2] =	wrdreg s3  }
0xa9: {  	[dreg:$0x3] =	wrdreg s5  }
0xaa: {  	[dreg:$0x4] =	wrdreg $0xC0  }
0xab: {  	_ =	task [dreg:s7], $0x5FFFF  }
0xac: {  	[dreg:$0x1] =	wrdreg $0xFFFFFFFF  }
0xad: {  	[dreg:$0x0] =	wrdreg $0x60  }
0xae: {  	[dreg:$0x2] =	wrdreg s2  }
0xaf: {  	[dreg:$0x3] =	wrdreg s24  }
0xb0: {  	[dreg:$0x4] =	wrdreg $0x0  }
0xb1: {  	[dreg:$0x5] =	wrdreg $0x9  }
0xb2: {  	_ =	task.clear_ibuf [dreg:s7], $0x6FFFF;
	_ =	strace $0x90000049  }
0xb3: {  	s29 =	simm.s32 $0x9;
	_ =	strace $0x8000004B  }
0xb4: {  	_ =	swait.ge [sflag:s29], $0x1  }
0xb5: {  	[sflag:s29] =	ssyncadd.s32 $0xFFFFFFFF  }
0xb6: {  	_ =	strace $0x9000004B  }
0xb7: {  	_ =	sfence  }
0xb8: {  	s30 =	sld [smem:$0x0];
	_ =	sdelay $0x2  }
0xb9: {  	s31 =	sshll.u32 s1, $0xD;
	s1 =	sshrl.u32 s1, $0x2  }
0xba: {  	s3 =	sand.u32 $0x4000, s31;
	s1 =	sadd.s32 s1, s30  }
0xbb: {  	s0 =	sor.u32 s3, s0;
	s1 =	sshll.u32 s1, $0x11  }
0xbc: {  	s0 =	sor.u32 s1, s0  }
0xbd: {  	s0 =	sadd.s32 $0x8F2B, s0  }
0xbe: {  	[sflag:s0] =	ssyncadd.remote.s32 $0x1  }
0xbf: {  	_ =	sfence.sel $0xFFFF  }
0xc0: {  	[dreg:$0x0] =	wrdreg $0xFFFFFFFF;
	(pc) =	sbr.abs _section_cstart, $3  }
0xc1: {  	[dreg:$0x1] =	wrdreg $0xFFFFFFFF  }
0xc2: {  	_ =	task.clear_ibuf [dreg:s7], $0x2FFFF;
	_ =	strace $0x9FFFFFFF  }
0xc3: {  	(tm) =	ssettm $0x7FFFFFFF  }
tec
execute0_lowered:
.L_overlay_start_1:
0x0: {  	(tag) =	ssettag $0x1  }
0x1: {  	s1 =	rddreg [dreg:$0x0]  }
0x2: {  	s0 =	srdreg.scid;
	s2 =	rddreg [dreg:$0x1]  }
0x3: {  	s7 =	stileid.u32;
	s3 =	rddreg [dreg:$0x2]  }
0x4: {  	s8 =	simm.s32 $0x0;
	s19 =	simm.s32 $0x14000;
	s20 =	simm.s32 $0x3  }
0x5: {  	s0 =	sand.u32 $0x1, s0;
	s5 =	sshrl.u32 s7, $0x3;
	s23 =	smul.u32 $0x14000, s7  }
0x6: {  	s6 =	sshll.u32 s7, $0x7;
	s24 =	sshll.u32 s7, $0xB;
	s7 =	smul.u32 $0x50000, s7  }
0x7: {  	s28 =	simm.s32 $0x2;
	s29 =	simm.s32 $0x1A480;
	s4 =	smul.u32 $0x27800, s0  }
0x8: {  	s30 =	simm.s32 $0x166C0;
	s31 =	simm.s32 $0x1A500;
	s5 =	smul.u32 $0x13C00, s5  }
0x9: {  	[smem:$0x7FF] =	sst s8;
	s21 =	sand.u32 $0x380, s6;
	s22 =	smul.u32 $0x140000, s0  }
0xa: {  	_ =	strace $0x8000004A;
	s6 =	sadd.s32 s24, s2;
	s25 =	ssub.s32 $0x2, s0  }
0xb: {  	s0 =	sshll.u32 s0, $0xF;
	s24 =	simm.s32 $0x1CF80;
	s26 =	sshrl.u32 s25, $0x1  }
0xc: {  	s7 =	sshrl.u32 s7, $0x2;
	s0 =	sadd.s32 s0, s6;
	s4 =	sadd.s32 s4, s5  }
0xd: {  	s5 =	sadd.s32 s23, s22;
	s16 =	ssub.s32 s25, s26;
	s22 =	simm.s32 $0x50  }
0xe: {  	s23 =	simm.s32 $0x1A780;
	s26 =	simm.s32 $0x1;
	s4 =	sor.u32 s21, s4  }
0xf: {  	s5 =	sshrl.u32 s5, $0x3;
	s16 =	smax.u32 s16, $0x1;
	s4 =	sshrl.u32 s4, $0x3  }
0x10: {  	s4 =	sadd.s32 s4, s2;
	s2 =	sadd.s32 s5, s2;
	s5 =	sadd.s32 s7, s3  }
0x11: {  	s7 =	sadd.s32 $0x52E00, s0;
	s6 =	sadd.s32 $0x62E00, s4;
	s8 =	sadd.s32 $0x2800, s5  }
0x12: {  	s9 =	sadd.s32 $0x5000, s5;
	s10 =	sadd.s32 $0x7800, s5;
	s11 =	sadd.s32 $0xA000, s5  }
0x13: {  	s12 =	sadd.s32 $0xC800, s5;
	s13 =	sadd.s32 $0xF000, s5;
	s14 =	sadd.s32 $0x11800, s5  }
0x14: {  	v0 =	vimm.f32 $0.0e+00;
	s15 =	sadd.s32 $0x2E00, s2;
	s2 =	simm.s32 $0x1A580;
	s4 =	simm.s32 $0x0  }
.LBB2_1:
0x15: {  	s0 =	simm.s32 $0x80;
	s17 =	simm.s32 $0x400  }
0x16: {  	[tilespmem:s19], [sflag:$0x3] =	stream.strided.gather [hbm4b:s6+s0], $0x2780, s17, s0, $0x38;
	[tilespmem:$0x1F780] =	vst v63  }
0x17: {  	_ =	swait.ge [sflag:s20], $0x2780  }
0x18: {  	[sflag:s20] =	ssyncset.done $0x0  }
0x19: {  	s21 =	simm.s32 $0x0;
	s25 =	simm.s32 $0x16780;
	[sflag:s20] =	ssyncadd.s32 $0xFFFFD880  }
0x1a: {  	[tilespmem:s25], [sflag:$0x3] =	stream.linear.gather [hbm4b:s7+s21], $0x3E80, $0x38;
	[tilespmem:$0x1F780] =	vst v63  }
0x1b: {  	_ =	swait.ge [sflag:s20], $0x3E80  }
0x1c: {  	[sflag:s20] =	ssyncset.done $0x0  }
0x1d: {  	s0 =	simm.s32 $0x0;
	s17 =	simm.s32 $0x200;
	[sflag:s20] =	ssyncadd.s32 $0xFFFFC180  }
0x1e: {  	[tilespmem:s23], [sflag:$0x1] =	stream.indirect.gather [hbm4b:s1+s22], $0x80, s19, s22, $0xb8;
	[tilespmem:$0x1F780] =	vst v63  }
.LBB2_2:
0x1f: {  	p0 =	sne.s32 s17, $0x9E00;
	[tilespmem:s0+$0x1CFF0] =	vst v0  }
0x20: {  	[tilespmem:s0+$0x1CF80] =	vst v0  }
0x21: {  	[tilespmem:s0+$0x1CF90] =	vst v0  }
.Ltmp0:
0x22: {  	[tilespmem:s0+$0x1CFA0] =	vst v0;
	(pc) =	sbr.rel @p0 .LBB2_2-.Ltmp0, $4  }
0x23: {  	[tilespmem:s0+$0x1CFB0] =	vst v0  }
0x24: {  	[tilespmem:s0+$0x1CFC0] =	vst v0  }
0x25: {  	[tilespmem:s0+$0x1CFD0] =	vst v0  }
0x26: {  	[tilespmem:s0+$0x1CFE0] =	vst v0;
	s0 =	sshra.s32 s17, $0x2;
	s17 =	sadd.s32 $0x200, s17  }
0x27: {  	[tilespmem:s0+$0x1CFF0] =	vst v0  }
0x28: {  	[tilespmem:s0+$0x1CF80] =	vst v0  }
0x29: {  	[tilespmem:s0+$0x1CF90] =	vst v0  }
0x2a: {  	[tilespmem:s0+$0x1CFA0] =	vst v0  }
0x2b: {  	[tilespmem:s0+$0x1CFB0] =	vst v0  }
0x2c: {  	[tilespmem:s0+$0x1CFC0] =	vst v0  }
0x2d: {  	[tilespmem:s0+$0x1CFD0] =	vst v0  }
0x2e: {  	[tilespmem:s0+$0x1CFE0] =	vst v0  }
0x2f: {  	[spmem:s5] =	stream.linear.scatter [tilespmem:s24], [sflag:$0x3], $0x2800, $0x38;
	[tilespmem:$0x1F780] =	vst v63  }
0x30: {  	_ =	swait.ge [sflag:s20], $0x2800  }
0x31: {  	[sflag:s20] =	ssyncset.done $0x0  }
0x32: {  	[sflag:s20] =	ssyncadd.s32 $0xFFFFD800  }
0x33: {  	[spmem:s8] =	stream.linear.scatter [tilespmem:s24], [sflag:$0x3], $0x2800, $0x38;
	[tilespmem:$0x1F780] =	vst v63  }
0x34: {  	_ =	swait.ge [sflag:s20], $0x2800  }
0x35: {  	[sflag:s20] =	ssyncset.done $0x0  }
0x36: {  	[sflag:s20] =	ssyncadd.s32 $0xFFFFD800  }
0x37: {  	[spmem:s9] =	stream.linear.scatter [tilespmem:s24], [sflag:$0x3], $0x2800, $0x38;
	[tilespmem:$0x1F780] =	vst v63  }
0x38: {  	_ =	swait.ge [sflag:s20], $0x2800  }
0x39: {  	[sflag:s20] =	ssyncset.done $0x0  }
0x3a: {  	[sflag:s20] =	ssyncadd.s32 $0xFFFFD800  }
0x3b: {  	[spmem:s10] =	stream.linear.scatter [tilespmem:s24], [sflag:$0x3], $0x2800, $0x38;
	[tilespmem:$0x1F780] =	vst v63  }
0x3c: {  	_ =	swait.ge [sflag:s20], $0x2800  }
0x3d: {  	[sflag:s20] =	ssyncset.done $0x0  }
0x3e: {  	[sflag:s20] =	ssyncadd.s32 $0xFFFFD800  }
0x3f: {  	[spmem:s11] =	stream.linear.scatter [tilespmem:s24], [sflag:$0x3], $0x2800, $0x38;
	[tilespmem:$0x1F780] =	vst v63  }
0x40: {  	_ =	swait.ge [sflag:s20], $0x2800  }
0x41: {  	[sflag:s20] =	ssyncset.done $0x0  }
0x42: {  	[sflag:s20] =	ssyncadd.s32 $0xFFFFD800  }
0x43: {  	[spmem:s12] =	stream.linear.scatter [tilespmem:s24], [sflag:$0x3], $0x2800, $0x38;
	[tilespmem:$0x1F780] =	vst v63  }
0x44: {  	_ =	swait.ge [sflag:s20], $0x2800  }
0x45: {  	[sflag:s20] =	ssyncset.done $0x0  }
0x46: {  	[sflag:s20] =	ssyncadd.s32 $0xFFFFD800  }
0x47: {  	[spmem:s13] =	stream.linear.scatter [tilespmem:s24], [sflag:$0x3], $0x2800, $0x38;
	[tilespmem:$0x1F780] =	vst v63  }
0x48: {  	_ =	swait.ge [sflag:s20], $0x2800  }
0x49: {  	[sflag:s20] =	ssyncset.done $0x0  }
0x4a: {  	[sflag:s20] =	ssyncadd.s32 $0xFFFFD800  }
0x4b: {  	[spmem:s14] =	stream.linear.scatter [tilespmem:s24], [sflag:$0x3], $0x2800, $0x38;
	[tilespmem:$0x1F780] =	vst v63  }
0x4c: {  	_ =	swait.ge [sflag:s20], $0x2800  }
0x4d: {  	[sflag:s20] =	ssyncset.done $0x0  }
0x4e: {  	[sflag:s20] =	ssyncadd.s32 $0xFFFFD800  }
0x4f: {  	s17 =	simm.s32 $0x14050;
	[bflag:$0x0] =	sbarrier.arrive $0xFFFF  }
0x50: {  	[tilespmem:s24], [sflag:$0x2] =	stream.indirect.gather [hbm4b:s1+s22], $0x80, s17, s22, $0xb8;
	[tilespmem:$0x1F780] =	vst v63  }
0x51: {  	_ =	swait.ge [sflag:s26], $0x2800  }
0x52: {  	[sflag:s26] =	ssyncset.done $0x0  }
0x53: {  	s18 =	simm.s32 $0x16780;
	[sflag:s26] =	ssyncadd.s32 $0xFFFFD800  }
0x54: {  	[spmem:s3] =	stream.indirect.scatter.add.f32 [tilespmem:s23], [sflag:$0x3], $0x80, s18, s22, $0xb8;
	[tilespmem:$0x1F780] =	vst v63  }
0x55: {  	_ =	swait.ge [sflag:s20], $0x2800  }
0x56: {  	[sflag:s20] =	ssyncset.done $0x0  }
0x57: {  	s21 =	simm.s32 $0x140A0;
	[sflag:s20] =	ssyncadd.s32 $0xFFFFD800  }
0x58: {  	[tilespmem:s23], [sflag:$0x1] =	stream.indirect.gather [hbm4b:s1+s22], $0x80, s21, s22, $0xb8;
	[tilespmem:$0x1F780] =	vst v63  }
0x59: {  	_ =	swait.ge [sflag:s28], $0x2800  }
0x5a: {  	[sflag:s28] =	ssyncset.done $0x0  }
0x5b: {  	s25 =	simm.s32 $0x16800;
	[sflag:s28] =	ssyncadd.s32 $0xFFFFD800  }
0x5c: {  	[spmem:s3] =	stream.indirect.scatter.add.f32 [tilespmem:s24], [sflag:$0x3], $0x80, s25, s22, $0xb8;
	[tilespmem:$0x1F780] =	vst v63  }
0x5d: {  	_ =	swait.ge [sflag:s20], $0x2800  }
0x5e: {  	s0 =	simm.s32 $0x140F0;
	[sflag:s20] =	ssyncset.done $0x0  }
0x5f: {  	s17 =	simm.s32 $0x400;
	s18 =	simm.s32 $0x14190;
	[sflag:s20] =	ssyncadd.s32 $0xFFFFD800  }
.LBB2_4:
0x60: {  	[tilespmem:s24], [sflag:$0x2] =	stream.indirect.gather [hbm4b:s1+s22], $0x80, s0, s22, $0xb8;
	[tilespmem:$0x1F780] =	vst v63  }
0x61: {  	s21 =	smov.u32 s17;
	s0 =	smov.u32 s18  }
0x62: {  	p0 =	sne.s32 s17, $0xF000;
	s17 =	sadd.s32 $0x400, s17;
	_ =	swait.ge [sflag:s26], $0x2800  }
0x63: {  	s21 =	sshra.s32 s21, $0x2;
	[sflag:s26] =	ssyncset.done $0x0  }
0x64: {  	s25 =	sadd.s32 $0x16780, s21;
	[sflag:s26] =	ssyncadd.s32 $0xFFFFD800  }
0x65: {  	[spmem:s3] =	stream.indirect.scatter.add.f32 [tilespmem:s23], [sflag:$0x3], $0x80, s25, s22, $0xb8;
	[tilespmem:$0x1F780] =	vst v63  }
0x66: {  	_ =	swait.ge [sflag:s20], $0x2800  }
0x67: {  	[sflag:s20] =	ssyncset.done $0x0  }
0x68: {  	s25 =	sadd.s32 $0xFFFFFFB0, s18;
	[sflag:s20] =	ssyncadd.s32 $0xFFFFD800  }
0x69: {  	[tilespmem:s23], [sflag:$0x1] =	stream.indirect.gather [hbm4b:s1+s22], $0x80, s25, s22, $0xb8;
	[tilespmem:$0x1F780] =	vst v63  }
0x6a: {  	_ =	swait.ge [sflag:s28], $0x2800  }
0x6b: {  	[sflag:s28] =	ssyncset.done $0x0  }
.Ltmp1:
0x6c: {  	s21 =	sadd.s32 $0x16800, s21;
	[sflag:s28] =	ssyncadd.s32 $0xFFFFD800;
	(pc) =	sbr.rel @p0 .LBB2_4-.Ltmp1, $4  }
0x6d: {  	[spmem:s3] =	stream.indirect.scatter.add.f32 [tilespmem:s24], [sflag:$0x3], $0x80, s21, s22, $0xb8;
	[tilespmem:$0x1F780] =	vst v63  }
0x6e: {  	_ =	swait.ge [sflag:s20], $0x2800  }
0x6f: {  	[sflag:s20] =	ssyncset.done $0x0  }
0x70: {  	s18 =	sadd.s32 $0xA0, s18;
	[sflag:s20] =	ssyncadd.s32 $0xFFFFD800  }
0x71: {  	[tilespmem:s24], [sflag:$0x2] =	stream.indirect.gather [hbm4b:s1+s22], $0x80, s0, s22, $0xb8;
	[tilespmem:$0x1F780] =	vst v63  }
0x72: {  	_ =	swait.ge [sflag:s26], $0x2800  }
0x73: {  	[sflag:s26] =	ssyncset.done $0x0  }
0x74: {  	[sflag:s26] =	ssyncadd.s32 $0xFFFFD800  }
0x75: {  	[spmem:s3] =	stream.indirect.scatter.add.f32 [tilespmem:s23], [sflag:$0x3], $0x80, s29, s22, $0xb8;
	[tilespmem:$0x1F780] =	vst v63  }
0x76: {  	_ =	swait.ge [sflag:s20], $0x2800  }
0x77: {  	[sflag:s20] =	ssyncset.done $0x0  }
0x78: {  	[sflag:s20] =	ssyncadd.s32 $0xFFFFD800  }
0x79: {  	[tilespmem:s23], [sflag:$0x1] =	stream.indirect.gather [hbm4b:s1+s22], $0x80, s30, s22, $0xb8;
	[tilespmem:$0x1F780] =	vst v63  }
0x7a: {  	_ =	swait.ge [sflag:s28], $0x2800  }
0x7b: {  	[sflag:s28] =	ssyncset.done $0x0  }
0x7c: {  	[sflag:s28] =	ssyncadd.s32 $0xFFFFD800  }
0x7d: {  	[spmem:s3] =	stream.indirect.scatter.add.f32 [tilespmem:s24], [sflag:$0x3], $0x80, s31, s22, $0xb8;
	[tilespmem:$0x1F780] =	vst v63  }
0x7e: {  	_ =	swait.ge [sflag:s20], $0x2800  }
0x7f: {  	[sflag:s20] =	ssyncset.done $0x0  }
0x80: {  	[sflag:s20] =	ssyncadd.s32 $0xFFFFD800  }
0x81: {  	_ =	swait.ge [sflag:s26], $0x2800  }
0x82: {  	[sflag:s26] =	ssyncset.done $0x0  }
0x83: {  	[sflag:s26] =	ssyncadd.s32 $0xFFFFD800  }
0x84: {  	[spmem:s3] =	stream.indirect.scatter.add.f32 [tilespmem:s23], [sflag:$0x3], $0x80, s2, s22, $0xb8;
	[tilespmem:$0x1F780] =	vst v63  }
0x85: {  	s25 =	stileid.u32;
	_ =	swait.ge [sflag:s20], $0x2800  }
0x86: {  	s17 =	sshrl.u32 s5, $0x3;
	s4 =	sadd.s32 $0x1, s4;
	[sflag:s20] =	ssyncset.done $0x0  }
0x87: {  	s0 =	sshll.u32 s25, $0x6;
	p0 =	sne.s32 s4, s16;
	[sflag:s20] =	ssyncadd.s32 $0xFFFFD800  }
.Ltmp2:
0x88: {  	s0 =	sor.u32 $0x1C03, s0;
	[bflag:$0x0] =	sbarrier.arrive $0xFFFF;
	(pc) =	sbr.rel @p0 .LBB2_1-.Ltmp2, $4  }
0x89: {  	[hbm:s15], [sflag:s0] =	dma.local [spmem:s17], $0x2800  }
0x8a: {  	_ =	swait.ge [sflag:s20], $0x2800  }
0x8b: {  	[sflag:s20] =	ssyncset.done $0x0  }
0x8c: {  	[sflag:s20] =	ssyncadd.s32 $0xFFFFD800  }
0x8d: {  	_ =	sfence.sel $0x180000  }
0x8e: {  	[bflag:$0x0] =	sbarrier.arrive $0xFFFF  }
0x8f: {  	_ =	strace $0x9000004A  }
0x90: {  	s0 =	stileid.u32;
	[bflag:$0x2] =	sbarrier.arrive $0xFFFF  }
0x91: {  	p0 =	sne.s32 s0, $0x0;
	s0 =	rddreg [dreg:$0x3]  }
0x92: {  	s0 =	sadd.s32 @!p0 $0x100000, s0  }
0x93: {  	[sflag:s0] =	ssyncadd.tile.s32 @!p0 $0x1;
	_ =	shalt  }
.Lfunc_end2:
_tile_overlayer_lowered:
.L_overlay_start_2:
0x94: {  	(tag) =	ssettag $0x2  }
0x95: {  	s0 =	rddreg [dreg:$0x0];
	s2 =	stileid.u32  }
0x96: {  	s1 =	rddreg [dreg:$0x1];
	p0 =	sne.s32 s2, $0x0  }
0x97: {  	s3 =	rddreg [dreg:$0x2];
	[bflag:$0x3] =	sbarrier.arrive $0xFFFF;
	s2 =	simm.s32 @!p0 $0x1C03  }
0x98: {  	[timem:s3], [sflag:s2] =	dma.local @!p0 [hbm:s0], s1  }
0x99: {  	s0 =	simm.s32 @!p0 $0x3  }
0x9a: {  	_ =	swait.ge @!p0 [sflag:s0], s1  }
0x9b: {  	s1 =	ssub.s32 @!p0 $0x0, s1;
	[sflag:s0] =	ssyncset.done @!p0 $0x0  }
0x9c: {  	[sflag:s0] =	ssyncadd.s32 @!p0 s1  }
0x9d: {  	[bflag:$0x3] =	sbarrier.arrive $0xFFFF  }
0x9e: {  	_ =	shalt  }

// kernel: kernel.15.cloned.1.call-start
scs
__scs_entry_jumppad:
0x0: {  	(pc) =	sbr.rel $0x88, $3  }
0x1: {  	(tag) =	ssettag $0x0;
	lr =	simm.s32 $0x1  }
0x2: {  	[smem:$0x3F97] =	sst lr;
	_ =	strace $0xD0000000  }
0x3: {  	_ = 	snop  }
0x4: {  	_ = 	snop  }
0x5: {  	_ = 	snop  }
0x6: {  	_ = 	snop  }
0x7: {  	_ = 	snop  }
__scs_overlays_trampoline_lowered:
0x8: {  	[smem:$0x3FA6] =	sst s0  }
0x9: {  	[smem:$0x3FA7] =	sst s1  }
0xa: {  	[smem:$0x3FA8] =	sst s2  }
0xb: {  	[smem:$0x3FA9] =	sst s3  }
0xc: {  	[smem:$0x3FAA] =	sst s4  }
0xd: {  	[smem:$0x3FAB] =	sst s5  }
0xe: {  	[smem:$0x3FAC] =	sst s6  }
0xf: {  	[smem:$0x3FAD] =	sst s7  }
0x10: {  	[smem:$0x3FAE] =	sst s8  }
0x11: {  	[smem:$0x3FAF] =	sst s9;
	s0 =	simm.s32 @!p0 $0x0  }
0x12: {  	s1 =	sld [smem:$0x3F95];
	s0 =	simm.s32 @p0 $0x1  }
0x13: {  	[smem:$0x3FB0] =	sst s0;
	s0 =	simm.s32 @!p1 $0x0  }
0x14: {  	s2 =	sld [smem:$0x3F94];
	s0 =	simm.s32 @p1 $0x1  }
0x15: {  	[smem:$0x3FB1] =	sst s0;
	s0 =	simm.s32 @!p2 $0x0  }
0x16: {  	s3 =	sld [smem:$0x3FDB];
	s0 =	simm.s32 @p2 $0x1  }
0x17: {  	s4 =	simm.s32 $0x1BF5;
	[smem:$0x3FB3] =	sst s0  }
0x18: {  	s0 =	sld [smem:$0x3F96];
	_ =	swait.ge [sflag:s4], $0x0  }
0x19: {  	s7 =	sld [smem:$0x3F97]  }
0x1a: {  	s8 =	sadd.s32 $0xFFFFE003, lr  }
0x1b: {  	s9 =	sadd.s32 $0xFFFFFEF7, lr;
	s5 =	simm.s32 $0xFFFFFFFF;
	p2 =	slt.u32 s8, $0xFFFFF086  }
0x1c: {  	p1 =	slt.u32 s9, $0xF7A;
	s5 =	simm.s32 @!p2 $0x0  }
0x1d: {  	s5 =	simm.s32 @p1 $0x1;
	p0 =	seq.s32 s7, s2  }
0x1e: {  	s7 =	smul.u32 @!p0 $0xF7A, s2;
	p2 =	seq.s32 @!p0 s5, $0x0  }
0x1f: {  	s9 =	smul.u32 $0xF7A, s1;
	s8 =	simm.s32 @!p0 $0x1BF5;
	p2 =	por !p2, p0  }
0x20: {  	[sflag:s8] =	ssyncset.s32 @!p0 $0xFFFFF086;
	s6 =	sadd.s32 @!p0 s3, s7;
	s7 =	simm.s32 @!p0 $0x108  }
0x21: {  	s3 =	sadd.s32 s3, s9;
	s6 =	sadd.s32 @!p0 $0x88, s6;
	s7 =	simm.s32 @p2 $0x1082  }
0x22: {  	[simem:s7], [sflag:s8] =	dma.local @!p0 [hbm:s6], $0xF7A  }
0x23: {  	s9 =	sor.u32 $0xD0000000, s2;
	s6 =	simm.s32 $0x108;
	_ =	swait.ge @!p0 [sflag:s8], $0x0  }
0x24: {  	s3 =	sadd.s32 $0x88, s3;
	s6 =	simm.s32 @!p1 $0x1082;
	[sflag:s4] =	ssyncset.s32 $0xFFFFF086  }
0x25: {  	[simem:s6], [sflag:s4] =	dma.local [hbm:s3], $0xF7A  }
0x26: {  	[smem:$0x3F97] =	sst s1;
	(tag) =	ssettag s2;
	_ =	strace s9  }
0x27: {  	s1 =	sld [smem:$0x3FA7]  }
0x28: {  	s2 =	sld [smem:$0x3FA8]  }
0x29: {  	s4 =	sld [smem:$0x3FAA]  }
0x2a: {  	p0 =	seq.s32 s5, $0x0;
	s5 =	sld [smem:$0x3FAB]  }
0x2b: {  	s6 =	sld [smem:$0x3FAC]  }
0x2c: {  	s7 =	sld [smem:$0x3FAD]  }
0x2d: {  	s3 =	simm.s32 $0x108;
	s8 =	sld [smem:$0x3FAE]  }
0x2e: {  	s3 =	simm.s32 @!p0 $0x1082;
	s9 =	sld [smem:$0x3FAF]  }
0x2f: {  	lr =	sadd.s32 s0, s3;
	s0 =	sld [smem:$0x3FA6]  }
0x30: {  	s3 =	sld [smem:$0x3FA9]  }
0x31: {  	[smem:$0x3FB2] =	sst s10  }
0x32: {  	s10 =	sld [smem:$0x3FB0];
	_ =	sdelay $0x3  }
0x33: {  	p0 =	seq.s32 s10, $0x1;
	s10 =	sld [smem:$0x3FB2];
	_ =	sdelay $0x3  }
0x34: {  	[smem:$0x3FB2] =	sst s10  }
0x35: {  	s10 =	sld [smem:$0x3FB1];
	_ =	sdelay $0x3  }
0x36: {  	p1 =	seq.s32 s10, $0x1;
	s10 =	sld [smem:$0x3FB2];
	_ =	sdelay $0x3  }
0x37: {  	[smem:$0x3FB2] =	sst s10  }
0x38: {  	s10 =	sld [smem:$0x3FB3]  }
0x39: {  	_ = 	snop;
	(pc) =	sbr.ind lr, $3  }
0x3a: {  	_ = 	snop  }
0x3b: {  	_ = 	snop  }
0x3c: {  	p2 =	seq.s32 s10, $0x1;
	s10 =	sld [smem:$0x3FB2]  }
0x3d: {  	_ =	shalt  }
0x3e: {  	_ =	shalt  }
0x3f: {  	_ =	shalt  }
0x40: {  	_ =	shalt  }
0x41: {  	_ =	shalt  }
0x42: {  	_ =	shalt  }
0x43: {  	_ =	shalt  }
0x44: {  	_ =	shalt  }
0x45: {  	_ =	shalt  }
0x46: {  	_ =	shalt  }
0x47: {  	_ =	shalt  }
0x48: {  	_ =	shalt  }
0x49: {  	_ =	shalt  }
0x4a: {  	_ =	shalt  }
0x4b: {  	_ =	shalt  }
0x4c: {  	_ =	shalt  }
0x4d: {  	_ =	shalt  }
0x4e: {  	_ =	shalt  }
0x4f: {  	_ =	shalt  }
0x50: {  	_ =	shalt  }
0x51: {  	_ =	shalt  }
0x52: {  	_ =	shalt  }
0x53: {  	_ =	shalt  }
0x54: {  	_ =	shalt  }
0x55: {  	_ =	shalt  }
0x56: {  	_ =	shalt  }
0x57: {  	_ =	shalt  }
0x58: {  	_ =	shalt  }
0x59: {  	_ =	shalt  }
0x5a: {  	_ =	shalt  }
0x5b: {  	_ =	shalt  }
0x5c: {  	_ =	shalt  }
0x5d: {  	_ =	shalt  }
0x5e: {  	_ =	shalt  }
0x5f: {  	_ =	shalt  }
0x60: {  	_ =	shalt  }
0x61: {  	_ =	shalt  }
0x62: {  	_ =	shalt  }
0x63: {  	_ =	shalt  }
0x64: {  	_ =	shalt  }
0x65: {  	_ =	shalt  }
0x66: {  	_ =	shalt  }
0x67: {  	_ =	shalt  }
0x68: {  	_ =	shalt  }
0x69: {  	_ =	shalt  }
0x6a: {  	_ =	shalt  }
0x6b: {  	_ =	shalt  }
0x6c: {  	_ =	shalt  }
0x6d: {  	_ =	shalt  }
0x6e: {  	_ =	shalt  }
0x6f: {  	_ =	shalt  }
0x70: {  	_ =	shalt  }
0x71: {  	_ =	shalt  }
0x72: {  	_ =	shalt  }
0x73: {  	_ =	shalt  }
0x74: {  	_ =	shalt  }
0x75: {  	_ =	shalt  }
0x76: {  	_ =	shalt  }
0x77: {  	_ =	shalt  }
0x78: {  	_ =	shalt  }
0x79: {  	_ =	shalt  }
0x7a: {  	_ =	shalt  }
0x7b: {  	_ =	shalt  }
0x7c: {  	_ =	shalt  }
0x7d: {  	_ =	shalt  }
0x7e: {  	_ =	shalt  }
0x7f: {  	_ =	shalt  }
0x80: {  	_ =	shalt  }
0x81: {  	_ =	shalt  }
0x82: {  	_ =	shalt  }
0x83: {  	_ =	shalt  }
0x84: {  	_ =	shalt  }
0x85: {  	_ =	shalt  }
0x86: {  	_ =	shalt  }
0x87: {  	_ =	shalt  }
.Lfunc_end0:
.L_simem_size_0:
called_computation.2_lowered:
.L_overlay_start_0:
0x88: {  	s2 =	sld [smem:$0x3FD9]  }
0x89: {  	s3 =	sld [smem:$0x3FFE];
	_ =	sdelay $0x1  }
0x8a: {  	s1 =	srdreg.scid  }
0x8b: {  	s0 =	sand.u32 $0x1, s1  }
0x8c: {  	s17 =	sshll.u32 s0, $0xA;
	s2 =	sadd.s32 s3, s2  }
0x8d: {  	s2 =	sadd.s32 s2, s17  }
0x8e: {  	[smem:$0x3FBE] =	sst s2  }
0x8f: {  	_ = 	snop  }
0x90: {  	s2 =	sld [smem:$0x3FD0];
	(tm) =	ssettm $0x1  }
0x91: {  	s18 =	sld [smem:$0x3FFB];
	_ =	sdelay $0x3  }
0x92: {  	_ =	strace s18  }
0x93: {  	s3 =	sld [smem:$0x3FFC];
	_ =	sdelay $0x3  }
0x94: {  	_ =	strace s3  }
0x95: {  	s3 =	sld [smem:$0x3FFD];
	_ =	sdelay $0x3  }
0x96: {  	_ =	strace s3  }
0x97: {  	_ =	strace $0x8FFFFFFF  }
0x98: {  	s19 =	sld [smem:$0x3FDB];
	_ =	sdelay $0x1  }
0x99: {  	s4 =	simm.s32 $_scs_section_size  }
0x9a: {  	s5 =	simm.s32 $_size__tile_overlayer_lowered;
	s6 =	simm.s32 $_tile_overlayer_lowered  }
0x9b: {  	s22 =	simm.s32 $0x1BFF;
	s21 =	sshll.u32 s6, $0x1;
	s3 =	sadd.s32 s4, s19  }
0x9c: {  	s7 =	simm.s32 $0x0;
	s20 =	sshll.u32 s5, $0x1;
	s5 =	sadd.s32 s21, s3  }
0x9d: {  	[timem:s7], [sflag:s22] =	dma.local [hbm:s5], s20  }
0x9e: {  	_ =	swait.ge [sflag:s22], s20  }
0x9f: {  	s4 =	ssub.s32 $0x0, s20;
	[sflag:s22] =	ssyncset.done $0x0  }
0xa0: {  	[sflag:s22] =	ssyncadd.s32 s4;
	_ =	sdelay $0x1  }
0xa1: {  	s23 =	simm.s32 $0x1B8B  }
0xa2: {  	_ =	swait.ge [sflag:s23], $0x1  }
0xa3: {  	[sflag:s23] =	ssyncset.done $0x0  }
0xa4: {  	s25 =	simm.s32 $0x1B8E;
	s24 =	sld [smem:$0x3FFE];
	[sflag:s23] =	ssyncadd.s32 $0xFFFFFFFF  }
0xa5: {  	s26 =	simm.s32 $execute0_lowered;
	[smem:$0x3FD2] =	sst s25  }
0xa6: {  	s5 =	sshll.u32 s26, $0x1;
	_ =	strace $0x8000004C;
	[dreg:$0x1] =	wrdreg $0xFFFFFFFF  }
0xa7: {  	s28 =	simm.s32 $_size_execute0_lowered;
	s3 =	sadd.s32 s3, s5;
	[dreg:$0x0] =	wrdreg $0x0  }
0xa8: {  	s5 =	sshll.u32 s28, $0x1;
	[dreg:$0x2] =	wrdreg s3  }
0xa9: {  	[dreg:$0x3] =	wrdreg s5  }
0xaa: {  	[dreg:$0x4] =	wrdreg $0xC0  }
0xab: {  	_ =	task [dreg:s7], $0x5FFFF  }
0xac: {  	[dreg:$0x1] =	wrdreg $0xFFFFFFFF  }
0xad: {  	[dreg:$0x0] =	wrdreg $0x60  }
0xae: {  	[dreg:$0x2] =	wrdreg s2  }
0xaf: {  	[dreg:$0x3] =	wrdreg s24  }
0xb0: {  	[dreg:$0x4] =	wrdreg $0x0  }
0xb1: {  	[dreg:$0x5] =	wrdreg $0x9  }
0xb2: {  	_ =	task.clear_ibuf [dreg:s7], $0x6FFFF;
	_ =	strace $0x9000004C  }
0xb3: {  	s29 =	simm.s32 $0x9;
	_ =	strace $0x8000004E  }
0xb4: {  	_ =	swait.ge [sflag:s29], $0x1  }
0xb5: {  	[sflag:s29] =	ssyncadd.s32 $0xFFFFFFFF  }
0xb6: {  	_ =	strace $0x9000004E  }
0xb7: {  	_ =	sfence  }
0xb8: {  	s30 =	sld [smem:$0x0];
	_ =	sdelay $0x2  }
0xb9: {  	s31 =	sshll.u32 s1, $0xD;
	s1 =	sshrl.u32 s1, $0x2  }
0xba: {  	s3 =	sand.u32 $0x4000, s31;
	s1 =	sadd.s32 s1, s30  }
0xbb: {  	s0 =	sor.u32 s3, s0;
	s1 =	sshll.u32 s1, $0x11  }
0xbc: {  	s0 =	sor.u32 s1, s0  }
0xbd: {  	s0 =	sadd.s32 $0x8F2B, s0  }
0xbe: {  	[sflag:s0] =	ssyncadd.remote.s32 $0x1  }
0xbf: {  	_ =	sfence.sel $0xFFFF  }
0xc0: {  	[dreg:$0x0] =	wrdreg $0xFFFFFFFF;
	(pc) =	sbr.abs _section_cstart, $3  }
0xc1: {  	[dreg:$0x1] =	wrdreg $0xFFFFFFFF  }
0xc2: {  	_ =	task.clear_ibuf [dreg:s7], $0x2FFFF;
	_ =	strace $0x9FFFFFFF  }
0xc3: {  	(tm) =	ssettm $0x7FFFFFFF  }
tec
execute0_lowered:
.L_overlay_start_1:
0x0: {  	(tag) =	ssettag $0x1  }
0x1: {  	s1 =	rddreg [dreg:$0x0]  }
0x2: {  	s0 =	srdreg.scid;
	s2 =	rddreg [dreg:$0x1]  }
0x3: {  	s7 =	stileid.u32;
	s3 =	rddreg [dreg:$0x2]  }
0x4: {  	s8 =	simm.s32 $0x0;
	s19 =	simm.s32 $0x14000;
	s20 =	simm.s32 $0x3  }
0x5: {  	s0 =	sand.u32 $0x1, s0;
	s5 =	sshrl.u32 s7, $0x3;
	s23 =	smul.u32 $0x14000, s7  }
0x6: {  	s6 =	sshll.u32 s7, $0x7;
	s24 =	sshll.u32 s7, $0xB;
	s7 =	smul.u32 $0x50000, s7  }
0x7: {  	s28 =	simm.s32 $0x2;
	s29 =	simm.s32 $0x1A480;
	s4 =	smul.u32 $0x27800, s0  }
0x8: {  	s30 =	simm.s32 $0x166C0;
	s31 =	simm.s32 $0x1A500;
	s5 =	smul.u32 $0x13C00, s5  }
0x9: {  	[smem:$0x7FF] =	sst s8;
	s21 =	sand.u32 $0x380, s6;
	s22 =	smul.u32 $0x140000, s0  }
0xa: {  	_ =	strace $0x8000004D;
	s6 =	sadd.s32 s24, s2;
	s25 =	ssub.s32 $0x2, s0  }
0xb: {  	s0 =	sshll.u32 s0, $0xF;
	s24 =	simm.s32 $0x1CF80;
	s26 =	sshrl.u32 s25, $0x1  }
0xc: {  	s7 =	sshrl.u32 s7, $0x2;
	s0 =	sadd.s32 s0, s6;
	s4 =	sadd.s32 s4, s5  }
0xd: {  	s5 =	sadd.s32 s23, s22;
	s16 =	ssub.s32 s25, s26;
	s22 =	simm.s32 $0x50  }
0xe: {  	s23 =	simm.s32 $0x1A780;
	s26 =	simm.s32 $0x1;
	s4 =	sor.u32 s21, s4  }
0xf: {  	s5 =	sshrl.u32 s5, $0x3;
	s16 =	smax.u32 s16, $0x1;
	s4 =	sshrl.u32 s4, $0x3  }
0x10: {  	s4 =	sadd.s32 s4, s2;
	s2 =	sadd.s32 s5, s2;
	s5 =	sadd.s32 s7, s3  }
0x11: {  	s7 =	sadd.s32 $0x52E00, s0;
	s6 =	sadd.s32 $0x62E00, s4;
	s8 =	sadd.s32 $0x2800, s5  }
0x12: {  	s9 =	sadd.s32 $0x5000, s5;
	s10 =	sadd.s32 $0x7800, s5;
	s11 =	sadd.s32 $0xA000, s5  }
0x13: {  	s12 =	sadd.s32 $0xC800, s5;
	s13 =	sadd.s32 $0xF000, s5;
	s14 =	sadd.s32 $0x11800, s5  }
0x14: {  	v0 =	vimm.f32 $0.0e+00;
	s15 =	sadd.s32 $0x2E00, s2;
	s2 =	simm.s32 $0x1A580;
	s4 =	simm.s32 $0x0  }
.LBB2_1:
0x15: {  	s0 =	simm.s32 $0x80;
	s17 =	simm.s32 $0x400  }
0x16: {  	[tilespmem:s19], [sflag:$0x3] =	stream.strided.gather [hbm4b:s6+s0], $0x2780, s17, s0, $0x38;
	[tilespmem:$0x1F780] =	vst v63  }
0x17: {  	_ =	swait.ge [sflag:s20], $0x2780  }
0x18: {  	[sflag:s20] =	ssyncset.done $0x0  }
0x19: {  	s21 =	simm.s32 $0x0;
	s25 =	simm.s32 $0x16780;
	[sflag:s20] =	ssyncadd.s32 $0xFFFFD880  }
0x1a: {  	[tilespmem:s25], [sflag:$0x3] =	stream.linear.gather [hbm4b:s7+s21], $0x3E80, $0x38;
	[tilespmem:$0x1F780] =	vst v63  }
0x1b: {  	_ =	swait.ge [sflag:s20], $0x3E80  }
0x1c: {  	[sflag:s20] =	ssyncset.done $0x0  }
0x1d: {  	s0 =	simm.s32 $0x0;
	s17 =	simm.s32 $0x200;
	[sflag:s20] =	ssyncadd.s32 $0xFFFFC180  }
0x1e: {  	[tilespmem:s23], [sflag:$0x1] =	stream.indirect.gather [hbm4b:s1+s22], $0x80, s19, s22, $0xb8;
	[tilespmem:$0x1F780] =	vst v63  }
.LBB2_2:
0x1f: {  	p0 =	sne.s32 s17, $0x9E00;
	[tilespmem:s0+$0x1CFF0] =	vst v0  }
0x20: {  	[tilespmem:s0+$0x1CF80] =	vst v0  }
0x21: {  	[tilespmem:s0+$0x1CF90] =	vst v0  }
.Ltmp0:
0x22: {  	[tilespmem:s0+$0x1CFA0] =	vst v0;
	(pc) =	sbr.rel @p0 .LBB2_2-.Ltmp0, $4  }
0x23: {  	[tilespmem:s0+$0x1CFB0] =	vst v0  }
0x24: {  	[tilespmem:s0+$0x1CFC0] =	vst v0  }
0x25: {  	[tilespmem:s0+$0x1CFD0] =	vst v0  }
0x26: {  	[tilespmem:s0+$0x1CFE0] =	vst v0;
	s0 =	sshra.s32 s17, $0x2;
	s17 =	sadd.s32 $0x200, s17  }
0x27: {  	[tilespmem:s0+$0x1CFF0] =	vst v0  }
0x28: {  	[tilespmem:s0+$0x1CF80] =	vst v0  }
0x29: {  	[tilespmem:s0+$0x1CF90] =	vst v0  }
0x2a: {  	[tilespmem:s0+$0x1CFA0] =	vst v0  }
0x2b: {  	[tilespmem:s0+$0x1CFB0] =	vst v0  }
0x2c: {  	[tilespmem:s0+$0x1CFC0] =	vst v0  }
0x2d: {  	[tilespmem:s0+$0x1CFD0] =	vst v0  }
0x2e: {  	[tilespmem:s0+$0x1CFE0] =	vst v0  }
0x2f: {  	[spmem:s5] =	stream.linear.scatter [tilespmem:s24], [sflag:$0x3], $0x2800, $0x38;
	[tilespmem:$0x1F780] =	vst v63  }
0x30: {  	_ =	swait.ge [sflag:s20], $0x2800  }
0x31: {  	[sflag:s20] =	ssyncset.done $0x0  }
0x32: {  	[sflag:s20] =	ssyncadd.s32 $0xFFFFD800  }
0x33: {  	[spmem:s8] =	stream.linear.scatter [tilespmem:s24], [sflag:$0x3], $0x2800, $0x38;
	[tilespmem:$0x1F780] =	vst v63  }
0x34: {  	_ =	swait.ge [sflag:s20], $0x2800  }
0x35: {  	[sflag:s20] =	ssyncset.done $0x0  }
0x36: {  	[sflag:s20] =	ssyncadd.s32 $0xFFFFD800  }
0x37: {  	[spmem:s9] =	stream.linear.scatter [tilespmem:s24], [sflag:$0x3], $0x2800, $0x38;
	[tilespmem:$0x1F780] =	vst v63  }
0x38: {  	_ =	swait.ge [sflag:s20], $0x2800  }
0x39: {  	[sflag:s20] =	ssyncset.done $0x0  }
0x3a: {  	[sflag:s20] =	ssyncadd.s32 $0xFFFFD800  }
0x3b: {  	[spmem:s10] =	stream.linear.scatter [tilespmem:s24], [sflag:$0x3], $0x2800, $0x38;
	[tilespmem:$0x1F780] =	vst v63  }
0x3c: {  	_ =	swait.ge [sflag:s20], $0x2800  }
0x3d: {  	[sflag:s20] =	ssyncset.done $0x0  }
0x3e: {  	[sflag:s20] =	ssyncadd.s32 $0xFFFFD800  }
0x3f: {  	[spmem:s11] =	stream.linear.scatter [tilespmem:s24], [sflag:$0x3], $0x2800, $0x38;
	[tilespmem:$0x1F780] =	vst v63  }
0x40: {  	_ =	swait.ge [sflag:s20], $0x2800  }
0x41: {  	[sflag:s20] =	ssyncset.done $0x0  }
0x42: {  	[sflag:s20] =	ssyncadd.s32 $0xFFFFD800  }
0x43: {  	[spmem:s12] =	stream.linear.scatter [tilespmem:s24], [sflag:$0x3], $0x2800, $0x38;
	[tilespmem:$0x1F780] =	vst v63  }
0x44: {  	_ =	swait.ge [sflag:s20], $0x2800  }
0x45: {  	[sflag:s20] =	ssyncset.done $0x0  }
0x46: {  	[sflag:s20] =	ssyncadd.s32 $0xFFFFD800  }
0x47: {  	[spmem:s13] =	stream.linear.scatter [tilespmem:s24], [sflag:$0x3], $0x2800, $0x38;
	[tilespmem:$0x1F780] =	vst v63  }
0x48: {  	_ =	swait.ge [sflag:s20], $0x2800  }
0x49: {  	[sflag:s20] =	ssyncset.done $0x0  }
0x4a: {  	[sflag:s20] =	ssyncadd.s32 $0xFFFFD800  }
0x4b: {  	[spmem:s14] =	stream.linear.scatter [tilespmem:s24], [sflag:$0x3], $0x2800, $0x38;
	[tilespmem:$0x1F780] =	vst v63  }
0x4c: {  	_ =	swait.ge [sflag:s20], $0x2800  }
0x4d: {  	[sflag:s20] =	ssyncset.done $0x0  }
0x4e: {  	[sflag:s20] =	ssyncadd.s32 $0xFFFFD800  }
0x4f: {  	s17 =	simm.s32 $0x14050;
	[bflag:$0x0] =	sbarrier.arrive $0xFFFF  }
0x50: {  	[tilespmem:s24], [sflag:$0x2] =	stream.indirect.gather [hbm4b:s1+s22], $0x80, s17, s22, $0xb8;
	[tilespmem:$0x1F780] =	vst v63  }
0x51: {  	_ =	swait.ge [sflag:s26], $0x2800  }
0x52: {  	[sflag:s26] =	ssyncset.done $0x0  }
0x53: {  	s18 =	simm.s32 $0x16780;
	[sflag:s26] =	ssyncadd.s32 $0xFFFFD800  }
0x54: {  	[spmem:s3] =	stream.indirect.scatter.add.f32 [tilespmem:s23], [sflag:$0x3], $0x80, s18, s22, $0xb8;
	[tilespmem:$0x1F780] =	vst v63  }
0x55: {  	_ =	swait.ge [sflag:s20], $0x2800  }
0x56: {  	[sflag:s20] =	ssyncset.done $0x0  }
0x57: {  	s21 =	simm.s32 $0x140A0;
	[sflag:s20] =	ssyncadd.s32 $0xFFFFD800  }
0x58: {  	[tilespmem:s23], [sflag:$0x1] =	stream.indirect.gather [hbm4b:s1+s22], $0x80, s21, s22, $0xb8;
	[tilespmem:$0x1F780] =	vst v63  }
0x59: {  	_ =	swait.ge [sflag:s28], $0x2800  }
0x5a: {  	[sflag:s28] =	ssyncset.done $0x0  }
0x5b: {  	s25 =	simm.s32 $0x16800;
	[sflag:s28] =	ssyncadd.s32 $0xFFFFD800  }
0x5c: {  	[spmem:s3] =	stream.indirect.scatter.add.f32 [tilespmem:s24], [sflag:$0x3], $0x80, s25, s22, $0xb8;
	[tilespmem:$0x1F780] =	vst v63  }
0x5d: {  	_ =	swait.ge [sflag:s20], $0x2800  }
0x5e: {  	s0 =	simm.s32 $0x140F0;
	[sflag:s20] =	ssyncset.done $0x0  }
0x5f: {  	s17 =	simm.s32 $0x400;
	s18 =	simm.s32 $0x14190;
	[sflag:s20] =	ssyncadd.s32 $0xFFFFD800  }
.LBB2_4:
0x60: {  	[tilespmem:s24], [sflag:$0x2] =	stream.indirect.gather [hbm4b:s1+s22], $0x80, s0, s22, $0xb8;
	[tilespmem:$0x1F780] =	vst v63  }
0x61: {  	s21 =	smov.u32 s17;
	s0 =	smov.u32 s18  }
0x62: {  	p0 =	sne.s32 s17, $0xF000;
	s17 =	sadd.s32 $0x400, s17;
	_ =	swait.ge [sflag:s26], $0x2800  }
0x63: {  	s21 =	sshra.s32 s21, $0x2;
	[sflag:s26] =	ssyncset.done $0x0  }
0x64: {  	s25 =	sadd.s32 $0x16780, s21;
	[sflag:s26] =	ssyncadd.s32 $0xFFFFD800  }
0x65: {  	[spmem:s3] =	stream.indirect.scatter.add.f32 [tilespmem:s23], [sflag:$0x3], $0x80, s25, s22, $0xb8;
	[tilespmem:$0x1F780] =	vst v63  }
0x66: {  	_ =	swait.ge [sflag:s20], $0x2800  }
0x67: {  	[sflag:s20] =	ssyncset.done $0x0  }
0x68: {  	s25 =	sadd.s32 $0xFFFFFFB0, s18;
	[sflag:s20] =	ssyncadd.s32 $0xFFFFD800  }
0x69: {  	[tilespmem:s23], [sflag:$0x1] =	stream.indirect.gather [hbm4b:s1+s22], $0x80, s25, s22, $0xb8;
	[tilespmem:$0x1F780] =	vst v63  }
0x6a: {  	_ =	swait.ge [sflag:s28], $0x2800  }
0x6b: {  	[sflag:s28] =	ssyncset.done $0x0  }
.Ltmp1:
0x6c: {  	s21 =	sadd.s32 $0x16800, s21;
	[sflag:s28] =	ssyncadd.s32 $0xFFFFD800;
	(pc) =	sbr.rel @p0 .LBB2_4-.Ltmp1, $4  }
0x6d: {  	[spmem:s3] =	stream.indirect.scatter.add.f32 [tilespmem:s24], [sflag:$0x3], $0x80, s21, s22, $0xb8;
	[tilespmem:$0x1F780] =	vst v63  }
0x6e: {  	_ =	swait.ge [sflag:s20], $0x2800  }
0x6f: {  	[sflag:s20] =	ssyncset.done $0x0  }
0x70: {  	s18 =	sadd.s32 $0xA0, s18;
	[sflag:s20] =	ssyncadd.s32 $0xFFFFD800  }
0x71: {  	[tilespmem:s24], [sflag:$0x2] =	stream.indirect.gather [hbm4b:s1+s22], $0x80, s0, s22, $0xb8;
	[tilespmem:$0x1F780] =	vst v63  }
0x72: {  	_ =	swait.ge [sflag:s26], $0x2800  }
0x73: {  	[sflag:s26] =	ssyncset.done $0x0  }
0x74: {  	[sflag:s26] =	ssyncadd.s32 $0xFFFFD800  }
0x75: {  	[spmem:s3] =	stream.indirect.scatter.add.f32 [tilespmem:s23], [sflag:$0x3], $0x80, s29, s22, $0xb8;
	[tilespmem:$0x1F780] =	vst v63  }
0x76: {  	_ =	swait.ge [sflag:s20], $0x2800  }
0x77: {  	[sflag:s20] =	ssyncset.done $0x0  }
0x78: {  	[sflag:s20] =	ssyncadd.s32 $0xFFFFD800  }
0x79: {  	[tilespmem:s23], [sflag:$0x1] =	stream.indirect.gather [hbm4b:s1+s22], $0x80, s30, s22, $0xb8;
	[tilespmem:$0x1F780] =	vst v63  }
0x7a: {  	_ =	swait.ge [sflag:s28], $0x2800  }
0x7b: {  	[sflag:s28] =	ssyncset.done $0x0  }
0x7c: {  	[sflag:s28] =	ssyncadd.s32 $0xFFFFD800  }
0x7d: {  	[spmem:s3] =	stream.indirect.scatter.add.f32 [tilespmem:s24], [sflag:$0x3], $0x80, s31, s22, $0xb8;
	[tilespmem:$0x1F780] =	vst v63  }
0x7e: {  	_ =	swait.ge [sflag:s20], $0x2800  }
0x7f: {  	[sflag:s20] =	ssyncset.done $0x0  }
0x80: {  	[sflag:s20] =	ssyncadd.s32 $0xFFFFD800  }
0x81: {  	_ =	swait.ge [sflag:s26], $0x2800  }
0x82: {  	[sflag:s26] =	ssyncset.done $0x0  }
0x83: {  	[sflag:s26] =	ssyncadd.s32 $0xFFFFD800  }
0x84: {  	[spmem:s3] =	stream.indirect.scatter.add.f32 [tilespmem:s23], [sflag:$0x3], $0x80, s2, s22, $0xb8;
	[tilespmem:$0x1F780] =	vst v63  }
0x85: {  	s25 =	stileid.u32;
	_ =	swait.ge [sflag:s20], $0x2800  }
0x86: {  	s17 =	sshrl.u32 s5, $0x3;
	s4 =	sadd.s32 $0x1, s4;
	[sflag:s20] =	ssyncset.done $0x0  }
0x87: {  	s0 =	sshll.u32 s25, $0x6;
	p0 =	sne.s32 s4, s16;
	[sflag:s20] =	ssyncadd.s32 $0xFFFFD800  }
.Ltmp2:
0x88: {  	s0 =	sor.u32 $0x1C03, s0;
	[bflag:$0x0] =	sbarrier.arrive $0xFFFF;
	(pc) =	sbr.rel @p0 .LBB2_1-.Ltmp2, $4  }
0x89: {  	[hbm:s15], [sflag:s0] =	dma.local [spmem:s17], $0x2800  }
0x8a: {  	_ =	swait.ge [sflag:s20], $0x2800  }
0x8b: {  	[sflag:s20] =	ssyncset.done $0x0  }
0x8c: {  	[sflag:s20] =	ssyncadd.s32 $0xFFFFD800  }
0x8d: {  	_ =	sfence.sel $0x180000  }
0x8e: {  	[bflag:$0x0] =	sbarrier.arrive $0xFFFF  }
0x8f: {  	_ =	strace $0x9000004D  }
0x90: {  	s0 =	stileid.u32;
	[bflag:$0x2] =	sbarrier.arrive $0xFFFF  }
0x91: {  	p0 =	sne.s32 s0, $0x0;
	s0 =	rddreg [dreg:$0x3]  }
0x92: {  	s0 =	sadd.s32 @!p0 $0x100000, s0  }
0x93: {  	[sflag:s0] =	ssyncadd.tile.s32 @!p0 $0x1;
	_ =	shalt  }
.Lfunc_end2:
_tile_overlayer_lowered:
.L_overlay_start_2:
0x94: {  	(tag) =	ssettag $0x2  }
0x95: {  	s0 =	rddreg [dreg:$0x0];
	s2 =	stileid.u32  }
0x96: {  	s1 =	rddreg [dreg:$0x1];
	p0 =	sne.s32 s2, $0x0  }
0x97: {  	s3 =	rddreg [dreg:$0x2];
	[bflag:$0x3] =	sbarrier.arrive $0xFFFF;
	s2 =	simm.s32 @!p0 $0x1C03  }
0x98: {  	[timem:s3], [sflag:s2] =	dma.local @!p0 [hbm:s0], s1  }
0x99: {  	s0 =	simm.s32 @!p0 $0x3  }
0x9a: {  	_ =	swait.ge @!p0 [sflag:s0], s1  }
0x9b: {  	s1 =	ssub.s32 @!p0 $0x0, s1;
	[sflag:s0] =	ssyncset.done @!p0 $0x0  }
0x9c: {  	[sflag:s0] =	ssyncadd.s32 @!p0 s1  }
0x9d: {  	[bflag:$0x3] =	sbarrier.arrive $0xFFFF  }
0x9e: {  	_ =	shalt  }

// kernel: kernel.9.cloned.1.call-start
scs
__scs_entry_jumppad:
0x0: {  	(pc) =	sbr.rel $0x88, $3  }
0x1: {  	(tag) =	ssettag $0x0;
	lr =	simm.s32 $0x1  }
0x2: {  	[smem:$0x3F97] =	sst lr;
	_ =	strace $0xD0000000  }
0x3: {  	_ = 	snop  }
0x4: {  	_ = 	snop  }
0x5: {  	_ = 	snop  }
0x6: {  	_ = 	snop  }
0x7: {  	_ = 	snop  }
__scs_overlays_trampoline_lowered:
0x8: {  	[smem:$0x3FA6] =	sst s0  }
0x9: {  	[smem:$0x3FA7] =	sst s1  }
0xa: {  	[smem:$0x3FA8] =	sst s2  }
0xb: {  	[smem:$0x3FA9] =	sst s3  }
0xc: {  	[smem:$0x3FAA] =	sst s4  }
0xd: {  	[smem:$0x3FAB] =	sst s5  }
0xe: {  	[smem:$0x3FAC] =	sst s6  }
0xf: {  	[smem:$0x3FAD] =	sst s7  }
0x10: {  	[smem:$0x3FAE] =	sst s8  }
0x11: {  	[smem:$0x3FAF] =	sst s9;
	s0 =	simm.s32 @!p0 $0x0  }
0x12: {  	s1 =	sld [smem:$0x3F95];
	s0 =	simm.s32 @p0 $0x1  }
0x13: {  	[smem:$0x3FB0] =	sst s0;
	s0 =	simm.s32 @!p1 $0x0  }
0x14: {  	s2 =	sld [smem:$0x3F94];
	s0 =	simm.s32 @p1 $0x1  }
0x15: {  	[smem:$0x3FB1] =	sst s0;
	s0 =	simm.s32 @!p2 $0x0  }
0x16: {  	s3 =	sld [smem:$0x3FDB];
	s0 =	simm.s32 @p2 $0x1  }
0x17: {  	s4 =	simm.s32 $0x1BF5;
	[smem:$0x3FB3] =	sst s0  }
0x18: {  	s0 =	sld [smem:$0x3F96];
	_ =	swait.ge [sflag:s4], $0x0  }
0x19: {  	s7 =	sld [smem:$0x3F97]  }
0x1a: {  	s8 =	sadd.s32 $0xFFFFE003, lr  }
0x1b: {  	s9 =	sadd.s32 $0xFFFFFEF7, lr;
	s5 =	simm.s32 $0xFFFFFFFF;
	p2 =	slt.u32 s8, $0xFFFFF086  }
0x1c: {  	p1 =	slt.u32 s9, $0xF7A;
	s5 =	simm.s32 @!p2 $0x0  }
0x1d: {  	s5 =	simm.s32 @p1 $0x1;
	p0 =	seq.s32 s7, s2  }
0x1e: {  	s7 =	smul.u32 @!p0 $0xF7A, s2;
	p2 =	seq.s32 @!p0 s5, $0x0  }
0x1f: {  	s9 =	smul.u32 $0xF7A, s1;
	s8 =	simm.s32 @!p0 $0x1BF5;
	p2 =	por !p2, p0  }
0x20: {  	[sflag:s8] =	ssyncset.s32 @!p0 $0xFFFFF086;
	s6 =	sadd.s32 @!p0 s3, s7;
	s7 =	simm.s32 @!p0 $0x108  }
0x21: {  	s3 =	sadd.s32 s3, s9;
	s6 =	sadd.s32 @!p0 $0x88, s6;
	s7 =	simm.s32 @p2 $0x1082  }
0x22: {  	[simem:s7], [sflag:s8] =	dma.local @!p0 [hbm:s6], $0xF7A  }
0x23: {  	s9 =	sor.u32 $0xD0000000, s2;
	s6 =	simm.s32 $0x108;
	_ =	swait.ge @!p0 [sflag:s8], $0x0  }
0x24: {  	s3 =	sadd.s32 $0x88, s3;
	s6 =	simm.s32 @!p1 $0x1082;
	[sflag:s4] =	ssyncset.s32 $0xFFFFF086  }
0x25: {  	[simem:s6], [sflag:s4] =	dma.local [hbm:s3], $0xF7A  }
0x26: {  	[smem:$0x3F97] =	sst s1;
	(tag) =	ssettag s2;
	_ =	strace s9  }
0x27: {  	s1 =	sld [smem:$0x3FA7]  }
0x28: {  	s2 =	sld [smem:$0x3FA8]  }
0x29: {  	s4 =	sld [smem:$0x3FAA]  }
0x2a: {  	p0 =	seq.s32 s5, $0x0;
	s5 =	sld [smem:$0x3FAB]  }
0x2b: {  	s6 =	sld [smem:$0x3FAC]  }
0x2c: {  	s7 =	sld [smem:$0x3FAD]  }
0x2d: {  	s3 =	simm.s32 $0x108;
	s8 =	sld [smem:$0x3FAE]  }
0x2e: {  	s3 =	simm.s32 @!p0 $0x1082;
	s9 =	sld [smem:$0x3FAF]  }
0x2f: {  	lr =	sadd.s32 s0, s3;
	s0 =	sld [smem:$0x3FA6]  }
0x30: {  	s3 =	sld [smem:$0x3FA9]  }
0x31: {  	[smem:$0x3FB2] =	sst s10  }
0x32: {  	s10 =	sld [smem:$0x3FB0];
	_ =	sdelay $0x3  }
0x33: {  	p0 =	seq.s32 s10, $0x1;
	s10 =	sld [smem:$0x3FB2];
	_ =	sdelay $0x3  }
0x34: {  	[smem:$0x3FB2] =	sst s10  }
0x35: {  	s10 =	sld [smem:$0x3FB1];
	_ =	sdelay $0x3  }
0x36: {  	p1 =	seq.s32 s10, $0x1;
	s10 =	sld [smem:$0x3FB2];
	_ =	sdelay $0x3  }
0x37: {  	[smem:$0x3FB2] =	sst s10  }
0x38: {  	s10 =	sld [smem:$0x3FB3]  }
0x39: {  	_ = 	snop;
	(pc) =	sbr.ind lr, $3  }
0x3a: {  	_ = 	snop  }
0x3b: {  	_ = 	snop  }
0x3c: {  	p2 =	seq.s32 s10, $0x1;
	s10 =	sld [smem:$0x3FB2]  }
0x3d: {  	_ =	shalt  }
0x3e: {  	_ =	shalt  }
0x3f: {  	_ =	shalt  }
0x40: {  	_ =	shalt  }
0x41: {  	_ =	shalt  }
0x42: {  	_ =	shalt  }
0x43: {  	_ =	shalt  }
0x44: {  	_ =	shalt  }
0x45: {  	_ =	shalt  }
0x46: {  	_ =	shalt  }
0x47: {  	_ =	shalt  }
0x48: {  	_ =	shalt  }
0x49: {  	_ =	shalt  }
0x4a: {  	_ =	shalt  }
0x4b: {  	_ =	shalt  }
0x4c: {  	_ =	shalt  }
0x4d: {  	_ =	shalt  }
0x4e: {  	_ =	shalt  }
0x4f: {  	_ =	shalt  }
0x50: {  	_ =	shalt  }
0x51: {  	_ =	shalt  }
0x52: {  	_ =	shalt  }
0x53: {  	_ =	shalt  }
0x54: {  	_ =	shalt  }
0x55: {  	_ =	shalt  }
0x56: {  	_ =	shalt  }
0x57: {  	_ =	shalt  }
0x58: {  	_ =	shalt  }
0x59: {  	_ =	shalt  }
0x5a: {  	_ =	shalt  }
0x5b: {  	_ =	shalt  }
0x5c: {  	_ =	shalt  }
0x5d: {  	_ =	shalt  }
0x5e: {  	_ =	shalt  }
0x5f: {  	_ =	shalt  }
0x60: {  	_ =	shalt  }
0x61: {  	_ =	shalt  }
0x62: {  	_ =	shalt  }
0x63: {  	_ =	shalt  }
0x64: {  	_ =	shalt  }
0x65: {  	_ =	shalt  }
0x66: {  	_ =	shalt  }
0x67: {  	_ =	shalt  }
0x68: {  	_ =	shalt  }
0x69: {  	_ =	shalt  }
0x6a: {  	_ =	shalt  }
0x6b: {  	_ =	shalt  }
0x6c: {  	_ =	shalt  }
0x6d: {  	_ =	shalt  }
0x6e: {  	_ =	shalt  }
0x6f: {  	_ =	shalt  }
0x70: {  	_ =	shalt  }
0x71: {  	_ =	shalt  }
0x72: {  	_ =	shalt  }
0x73: {  	_ =	shalt  }
0x74: {  	_ =	shalt  }
0x75: {  	_ =	shalt  }
0x76: {  	_ =	shalt  }
0x77: {  	_ =	shalt  }
0x78: {  	_ =	shalt  }
0x79: {  	_ =	shalt  }
0x7a: {  	_ =	shalt  }
0x7b: {  	_ =	shalt  }
0x7c: {  	_ =	shalt  }
0x7d: {  	_ =	shalt  }
0x7e: {  	_ =	shalt  }
0x7f: {  	_ =	shalt  }
0x80: {  	_ =	shalt  }
0x81: {  	_ =	shalt  }
0x82: {  	_ =	shalt  }
0x83: {  	_ =	shalt  }
0x84: {  	_ =	shalt  }
0x85: {  	_ =	shalt  }
0x86: {  	_ =	shalt  }
0x87: {  	_ =	shalt  }
.Lfunc_end0:
.L_simem_size_0:
called_computation_lowered:
.L_overlay_start_0:
0x88: {  	s2 =	sld [smem:$0x3FD9]  }
0x89: {  	s3 =	sld [smem:$0x3FFE];
	_ =	sdelay $0x1  }
0x8a: {  	s1 =	srdreg.scid  }
0x8b: {  	s0 =	sand.u32 $0x1, s1  }
0x8c: {  	s17 =	sshll.u32 s0, $0xA;
	s2 =	sadd.s32 s3, s2  }
0x8d: {  	s2 =	sadd.s32 s2, s17  }
0x8e: {  	[smem:$0x3FBE] =	sst s2  }
0x8f: {  	_ = 	snop  }
0x90: {  	s2 =	sld [smem:$0x3FD0];
	(tm) =	ssettm $0x1  }
0x91: {  	s18 =	sld [smem:$0x3FFB];
	_ =	sdelay $0x3  }
0x92: {  	_ =	strace s18  }
0x93: {  	s3 =	sld [smem:$0x3FFC];
	_ =	sdelay $0x3  }
0x94: {  	_ =	strace s3  }
0x95: {  	s3 =	sld [smem:$0x3FFD];
	_ =	sdelay $0x3  }
0x96: {  	_ =	strace s3  }
0x97: {  	_ =	strace $0x8FFFFFFF  }
0x98: {  	s19 =	sld [smem:$0x3FDB];
	_ =	sdelay $0x1  }
0x99: {  	s4 =	simm.s32 $_scs_section_size  }
0x9a: {  	s5 =	simm.s32 $_size__tile_overlayer_lowered;
	s6 =	simm.s32 $_tile_overlayer_lowered  }
0x9b: {  	s22 =	simm.s32 $0x1BFF;
	s21 =	sshll.u32 s6, $0x1;
	s3 =	sadd.s32 s4, s19  }
0x9c: {  	s7 =	simm.s32 $0x0;
	s20 =	sshll.u32 s5, $0x1;
	s5 =	sadd.s32 s21, s3  }
0x9d: {  	[timem:s7], [sflag:s22] =	dma.local [hbm:s5], s20  }
0x9e: {  	_ =	swait.ge [sflag:s22], s20  }
0x9f: {  	s4 =	ssub.s32 $0x0, s20;
	[sflag:s22] =	ssyncset.done $0x0  }
0xa0: {  	[sflag:s22] =	ssyncadd.s32 s4;
	_ =	sdelay $0x1  }
0xa1: {  	s23 =	simm.s32 $0x1B8B  }
0xa2: {  	_ =	swait.ge [sflag:s23], $0x1  }
0xa3: {  	[sflag:s23] =	ssyncset.done $0x0  }
0xa4: {  	s25 =	simm.s32 $0x1B8E;
	s24 =	sld [smem:$0x3FFE];
	[sflag:s23] =	ssyncadd.s32 $0xFFFFFFFF  }
0xa5: {  	s26 =	simm.s32 $execute0_lowered;
	[smem:$0x3FD2] =	sst s25  }
0xa6: {  	s5 =	sshll.u32 s26, $0x1;
	_ =	strace $0x80000046;
	[dreg:$0x1] =	wrdreg $0xFFFFFFFF  }
0xa7: {  	s28 =	simm.s32 $_size_execute0_lowered;
	s3 =	sadd.s32 s3, s5;
	[dreg:$0x0] =	wrdreg $0x0  }
0xa8: {  	s5 =	sshll.u32 s28, $0x1;
	[dreg:$0x2] =	wrdreg s3  }
0xa9: {  	[dreg:$0x3] =	wrdreg s5  }
0xaa: {  	[dreg:$0x4] =	wrdreg $0xC0  }
0xab: {  	_ =	task [dreg:s7], $0x5FFFF  }
0xac: {  	[dreg:$0x1] =	wrdreg $0xFFFFFFFF  }
0xad: {  	[dreg:$0x0] =	wrdreg $0x60  }
0xae: {  	[dreg:$0x2] =	wrdreg s2  }
0xaf: {  	[dreg:$0x3] =	wrdreg s24  }
0xb0: {  	[dreg:$0x4] =	wrdreg $0x0  }
0xb1: {  	[dreg:$0x5] =	wrdreg $0x9  }
0xb2: {  	_ =	task.clear_ibuf [dreg:s7], $0x6FFFF;
	_ =	strace $0x90000046  }
0xb3: {  	s29 =	simm.s32 $0x9;
	_ =	strace $0x80000048  }
0xb4: {  	_ =	swait.ge [sflag:s29], $0x1  }
0xb5: {  	[sflag:s29] =	ssyncadd.s32 $0xFFFFFFFF  }
0xb6: {  	_ =	strace $0x90000048  }
0xb7: {  	_ =	sfence  }
0xb8: {  	s30 =	sld [smem:$0x0];
	_ =	sdelay $0x2  }
0xb9: {  	s31 =	sshll.u32 s1, $0xD;
	s1 =	sshrl.u32 s1, $0x2  }
0xba: {  	s3 =	sand.u32 $0x4000, s31;
	s1 =	sadd.s32 s1, s30  }
0xbb: {  	s0 =	sor.u32 s3, s0;
	s1 =	sshll.u32 s1, $0x11  }
0xbc: {  	s0 =	sor.u32 s1, s0  }
0xbd: {  	s0 =	sadd.s32 $0x8F2B, s0  }
0xbe: {  	[sflag:s0] =	ssyncadd.remote.s32 $0x1  }
0xbf: {  	_ =	sfence.sel $0xFFFF  }
0xc0: {  	[dreg:$0x0] =	wrdreg $0xFFFFFFFF;
	(pc) =	sbr.abs _section_cstart, $3  }
0xc1: {  	[dreg:$0x1] =	wrdreg $0xFFFFFFFF  }
0xc2: {  	_ =	task.clear_ibuf [dreg:s7], $0x2FFFF;
	_ =	strace $0x9FFFFFFF  }
0xc3: {  	(tm) =	ssettm $0x7FFFFFFF  }
tec
execute0_lowered:
.L_overlay_start_1:
0x0: {  	(tag) =	ssettag $0x1  }
0x1: {  	s9 =	rddreg [dreg:$0x0]  }
0x2: {  	s4 =	rddreg [dreg:$0x1]  }
0x3: {  	s0 =	srdreg.scid;
	s2 =	rddreg [dreg:$0x2]  }
0x4: {  	s1 =	rddreg [dreg:$0x3];
	s3 =	simm.s32 $0x0;
	s5 =	sand.u32 $0x1, s0  }
0x5: {  	s13 =	simm.s32 $0x1;
	s0 =	stileid.u32;
	s6 =	smul.u32 $0x140000, s5  }
0x6: {  	s14 =	simm.s32 $0x2800;
	s15 =	simm.s32 $0x80;
	s7 =	smul.u32 $0x14000, s0  }
0x7: {  	s16 =	simm.s32 $0x5000;
	[smem:$0x7FF] =	sst s3;
	s30 =	smul.u32 $0x50000, s0  }
0x8: {  	_ =	strace $0x80000047;
	s8 =	smul.u32 $0x28000, s5;
	s5 =	ssub.s32 $0x2, s5  }
0x9: {  	s10 =	smul.u32 $0x2800, s0;
	s17 =	sshll.u32 s0, $0x6;
	s31 =	sshrl.u32 s5, $0x1  }
0xa: {  	s17 =	sor.u32 $0x1C01, s17;
	s6 =	sadd.s32 s7, s6;
	s7 =	sshrl.u32 s30, $0x2  }
0xb: {  	s12 =	ssub.s32 s5, s31;
	s8 =	sadd.s32 s10, s8;
	s6 =	sshrl.u32 s6, $0x3  }
0xc: {  	s10 =	sshrl.u32 s8, $0x3;
	s11 =	sadd.s32 s6, s4;
	s4 =	sadd.s32 s7, s2  }
0xd: {  	s9 =	sadd.s32 s9, s10;
	s5 =	sadd.s32 $0x4000, s4;
	s6 =	sadd.s32 $0x8000, s4  }
0xe: {  	s7 =	sadd.s32 $0xC000, s4;
	s8 =	sadd.s32 $0x10000, s4;
	s10 =	sadd.s32 $0x2E00, s11  }
0xf: {  	v0 =	vimm.f32 $1.000000000e+00;
	v1 =	vimm.f32 $0.0e+00;
	s11 =	smax.u32 s12, $0x1;
	s12 =	simm.s32 $0x9000;
	s18 =	sshrl.u32 s4, $0x3  }
.LBB2_1:
0x10: {  	s19 =	simm.s32 $0x0  }
.LBB2_2:
0x11: {  	p0 =	sne.s32 s19, $0xFE00  }
.Ltmp0:
0x12: {  	_ = 	snop;
	(pc) =	sbr.rel @p0 .LBB2_2-.Ltmp0, $3  }
0x13: {  	_ =	sdelay $0x1  }
0x14: {  	s20 =	sshra.s32 s19, $0x2  }
0x15: {  	s19 =	sadd.s32 $0x200, s19;
	[tilespmem:s20+$0x5000] =	vst v0  }
0x16: {  	s19 =	simm.s32 $0x200;
	s20 =	simm.s32 $0x0  }
.LBB2_4:
0x17: {  	p0 =	sne.s32 s19, $0xFE00;
	[tilespmem:s20+$0x9000] =	vst v1;
	s20 =	smov.u32 s19;
	s19 =	sadd.s32 $0x200, s19  }
.Ltmp1:
0x18: {  	(pc) =	sbr.rel @p0 .LBB2_4-.Ltmp1, $2  }
0x19: {  	_ =	sdelay $0x2  }
0x1a: {  	s20 =	sshra.s32 s20, $0x2  }
0x1b: {  	[tilespmem:s20+$0x9000] =	vst v1  }
0x1c: {  	[spmem:s4] =	stream.linear.scatter [tilespmem:s12], [sflag:$0x1], $0x4000, $0x38;
	[tilespmem:$0xD000] =	vst v63  }
0x1d: {  	_ =	swait.ge [sflag:s13], $0x4000  }
0x1e: {  	[sflag:s13] =	ssyncset.done $0x0  }
0x1f: {  	[sflag:s13] =	ssyncadd.s32 $0xFFFFC000  }
0x20: {  	[spmem:s5] =	stream.linear.scatter [tilespmem:s12], [sflag:$0x1], $0x4000, $0x38;
	[tilespmem:$0xD000] =	vst v63  }
0x21: {  	_ =	swait.ge [sflag:s13], $0x4000  }
0x22: {  	[sflag:s13] =	ssyncset.done $0x0  }
0x23: {  	[sflag:s13] =	ssyncadd.s32 $0xFFFFC000  }
0x24: {  	[spmem:s6] =	stream.linear.scatter [tilespmem:s12], [sflag:$0x1], $0x4000, $0x38;
	[tilespmem:$0xD000] =	vst v63  }
0x25: {  	_ =	swait.ge [sflag:s13], $0x4000  }
0x26: {  	[sflag:s13] =	ssyncset.done $0x0  }
0x27: {  	[sflag:s13] =	ssyncadd.s32 $0xFFFFC000  }
0x28: {  	[spmem:s7] =	stream.linear.scatter [tilespmem:s12], [sflag:$0x1], $0x4000, $0x38;
	[tilespmem:$0xD000] =	vst v63  }
0x29: {  	_ =	swait.ge [sflag:s13], $0x4000  }
0x2a: {  	[sflag:s13] =	ssyncset.done $0x0  }
0x2b: {  	[sflag:s13] =	ssyncadd.s32 $0xFFFFC000  }
0x2c: {  	[spmem:s8] =	stream.linear.scatter [tilespmem:s12], [sflag:$0x1], $0x4000, $0x38;
	[tilespmem:$0xD000] =	vst v63  }
0x2d: {  	_ =	swait.ge [sflag:s13], $0x4000  }
0x2e: {  	[sflag:s13] =	ssyncset.done $0x0  }
0x2f: {  	s19 =	simm.s32 $0x0;
	[sflag:s13] =	ssyncadd.s32 $0xFFFFC000  }
0x30: {  	[tilespmem:s14], [sflag:$0x1] =	stream.linear.gather [hbm4b:s9+s19], $0x2800, $0x38;
	[tilespmem:$0xD000] =	vst v63  }
0x31: {  	_ =	swait.ge [sflag:s13], $0x2800  }
0x32: {  	[sflag:s13] =	ssyncset.done $0x0  }
0x33: {  	[sflag:s13] =	ssyncadd.s32 $0xFFFFD800  }
0x34: {  	s31 =	simm.s32 $0x2800;
	[bflag:$0x0] =	sbarrier.arrive $0xFFFF  }
0x35: {  	[spmem:s2] =	stream.indirect.scatter.add.f32 [tilespmem:s16], [sflag:$0x1], $0x10, s31, s15, $0xb8;
	[tilespmem:$0xD000] =	vst v63  }
0x36: {  	s19 =	simm.s32 $0x200;
	_ =	swait.ge [sflag:s13], $0x800  }
.LBB2_6:
0x37: {  	s20 =	sshra.s32 s19, $0x2;
	[sflag:s13] =	ssyncset.done $0x0;
	p0 =	sne.s32 s19, $0x9E00  }
.Ltmp2:
0x38: {  	s20 =	sadd.s32 $0x2800, s20;
	[sflag:s13] =	ssyncadd.s32 $0xFFFFF800;
	(pc) =	sbr.rel @p0 .LBB2_6-.Ltmp2, $3  }
0x39: {  	[spmem:s2] =	stream.indirect.scatter.add.f32 [tilespmem:s16], [sflag:$0x1], $0x10, s20, s15, $0xb8;
	[tilespmem:$0xD000] =	vst v63  }
0x3a: {  	s19 =	sadd.s32 $0x200, s19;
	_ =	sdelay $0x1  }
0x3b: {  	_ =	swait.ge [sflag:s13], $0x800  }
0x3c: {  	[sflag:s13] =	ssyncset.done $0x0;
	s3 =	sadd.s32 $0x1, s3  }
0x3d: {  	[sflag:s13] =	ssyncadd.s32 $0xFFFFF800;
	p0 =	sne.s32 s3, s11  }
.Ltmp3:
0x3e: {  	[bflag:$0x0] =	sbarrier.arrive $0xFFFF;
	(pc) =	sbr.rel @p0 .LBB2_1-.Ltmp3, $4  }
0x3f: {  	[hbm:s10], [sflag:s17] =	dma.local [spmem:s18], $0x2800  }
0x40: {  	_ =	swait.ge [sflag:s13], $0x2800  }
0x41: {  	[sflag:s13] =	ssyncset.done $0x0  }
0x42: {  	[sflag:s13] =	ssyncadd.s32 $0xFFFFD800  }
0x43: {  	_ =	sfence.sel $0x180000  }
0x44: {  	[bflag:$0x0] =	sbarrier.arrive $0xFFFF  }
0x45: {  	p0 =	sne.s32 s0, $0x0;
	_ =	strace $0x90000047  }
0x46: {  	s0 =	sadd.s32 @!p0 $0x100000, s1;
	[bflag:$0x2] =	sbarrier.arrive $0xFFFF  }
0x47: {  	[sflag:s0] =	ssyncadd.tile.s32 @!p0 $0x1;
	_ =	shalt  }
.Lfunc_end2:
_tile_overlayer_lowered:
.L_overlay_start_2:
0x48: {  	(tag) =	ssettag $0x2  }
0x49: {  	s0 =	rddreg [dreg:$0x0];
	s2 =	stileid.u32  }
0x4a: {  	s1 =	rddreg [dreg:$0x1];
	p0 =	sne.s32 s2, $0x0  }
0x4b: {  	s3 =	rddreg [dreg:$0x2];
	[bflag:$0x3] =	sbarrier.arrive $0xFFFF;
	s2 =	simm.s32 @!p0 $0x1C01  }
0x4c: {  	[timem:s3], [sflag:s2] =	dma.local @!p0 [hbm:s0], s1  }
0x4d: {  	s0 =	simm.s32 @!p0 $0x1  }
0x4e: {  	_ =	swait.ge @!p0 [sflag:s0], s1  }
0x4f: {  	s1 =	ssub.s32 @!p0 $0x0, s1;
	[sflag:s0] =	ssyncset.done @!p0 $0x0  }
0x50: {  	[sflag:s0] =	ssyncadd.s32 @!p0 s1  }
0x51: {  	[bflag:$0x3] =	sbarrier.arrive $0xFFFF  }
0x52: {  	_ =	shalt  }

</sc_bundles>
